<compile_context>
chip_gen: v7x
topology: tpu7x:2x2x1
jax: 0.10.2.dev20260603
libtpu: 0.0.44.dev20260713+nightly
codegen_flags: <defaults>
</compile_context>

<pallas_src>
import functools

import jax
import jax.numpy as jnp
from jax import lax
from jax.experimental import pallas as pl
from jax.experimental.pallas import tpu as pltpu
from jax.experimental.pallas import tpu_sc as plsc

_B, _S, _V, _E, _T = 4, 2048, 1000, 768, 2
_TM = 1024
_TH = _TM // 2
_CHUNK = 64


def _sc_type_gather(type_table, idx_flat):
    info = plsc.get_sparse_core_info()
    nc, ns = info.num_cores, info.num_subcores
    nw = nc * ns
    m = idx_flat.shape[0]
    e = type_table.shape[1]
    b_per_w = m // nw
    mesh = plsc.VectorSubcoreMesh(core_axis_name="c", subcore_axis_name="s")

    @functools.partial(
        pl.kernel, mesh=mesh,
        out_type=jax.ShapeDtypeStruct((m, e), jnp.float32),
        scratch_types=[
            pltpu.VMEM((b_per_w,), jnp.int32),
            pltpu.VMEM((_CHUNK, e), jnp.float32),
            pltpu.SemaphoreType.DMA,
        ],
    )
    def k(table_hbm, idx_hbm, out_hbm, idx_v, rows_v, sem):
        wid = lax.axis_index("s") * nc + lax.axis_index("c")
        base = wid * b_per_w
        pltpu.sync_copy(idx_hbm.at[pl.ds(base, b_per_w)], idx_v)
        for c in range(b_per_w // _CHUNK):
            pltpu.async_copy(
                table_hbm.at[idx_v.at[pl.ds(c * _CHUNK, _CHUNK)]], rows_v, sem
            ).wait()
            pltpu.sync_copy(rows_v, out_hbm.at[pl.ds(base + c * _CHUNK, _CHUNK)])

    return k(type_table, idx_flat)


def _body(xa_ref, xb_ref, te_ref, w_ref, pos_ref, gb_ref, o_ref, *, s_tiles):
    w = w_ref[...]
    gamma = gb_ref[0:1, :]
    beta = gb_ref[1:2, :]
    s_idx = pl.program_id(0) % s_tiles

    for h, x_ref in ((0, xa_ref), (1, xb_ref)):
        y = jnp.dot(x_ref[0], w, preferred_element_type=jnp.float32)
        pos = pos_ref[pl.ds(s_idx * _TM + h * _TH, _TH), :]
        y = y + pos + te_ref[pl.ds(h * _TH, _TH), :]
        mean = jnp.mean(y, axis=1, keepdims=True)
        yc = y - mean
        var = jnp.mean(yc * yc, axis=1, keepdims=True)
        inv = jax.lax.rsqrt(var + 1e-3)
        o_ref[0, h * _TH:(h + 1) * _TH, :] = yc * inv * gamma + beta


def kernel(input_ids, token_type_ids, token_embedding, position_table, type_table, gamma, beta):
    B, S, V = input_ids.shape
    E = token_embedding.shape[1]
    n_tiles = (B * S) // _TM
    s_tiles = S // _TM

    type_emb = _sc_type_gather(type_table, token_type_ids.reshape(B * S))
    gb = jnp.stack([gamma, beta])

    body = functools.partial(_body, s_tiles=s_tiles)

    out = pl.pallas_call(
        body,
        grid=(n_tiles,),
        in_specs=[
            pl.BlockSpec((1, _TH, V), lambda i, s=s_tiles: (i // s, 2 * (i % s), 0)),
            pl.BlockSpec((1, _TH, V), lambda i, s=s_tiles: (i // s, 2 * (i % s) + 1, 0)),
            pl.BlockSpec((_TM, E), lambda i: (i, 0)),
            pl.BlockSpec((V, E), lambda i: (0, 0)),
            pl.BlockSpec((S, E), lambda i: (0, 0)),
            pl.BlockSpec((2, E), lambda i: (0, 0)),
        ],
        out_specs=pl.BlockSpec((1, _TM, E), lambda i, s=s_tiles: (i // s, i % s, 0)),
        out_shape=jax.ShapeDtypeStruct((B, S, E), jnp.float32),
    )(input_ids, input_ids, type_emb, token_embedding, position_table, gb)

    return out

# --- scband reference (transcript-rebuilt; emitter-appended) ---
"""Pipeline reference for scband-embedding-layer-120259085046 (READ-ONLY COPY).

The authoritative reference and input builder live on the scoring server;
editing this copy changes nothing except your own understanding.
"""

import jax, jax.numpy as jnp
import numpy as np

B, S, V, E, T = 4, 2048, 1000, 768, 2


def setup_inputs(seed: int = 0) -> dict:
    key = jax.random.key(seed)
    ks = jax.random.split(key, 8)
    input_ids = jax.random.uniform(ks[0], (B, S, V), dtype=jnp.float32)
    token_type_ids = jax.random.randint(ks[1], (B, S), 0, T, dtype=jnp.int32)
    token_embedding = jax.random.normal(ks[2], (V, E), dtype=jnp.float32) * 0.02
    position_table = jax.random.normal(ks[3], (S, E), dtype=jnp.float32) * 0.02
    type_table = jax.random.normal(ks[4], (T, E), dtype=jnp.float32) * 0.02
    gamma = jnp.ones((E,), dtype=jnp.float32)
    beta = jnp.zeros((E,), dtype=jnp.float32)
    return {
        'input_ids': input_ids,
        'token_type_ids': token_type_ids,
        'token_embedding': token_embedding,
        'position_table': position_table,
        'type_table': type_table,
        'gamma': gamma,
        'beta': beta,
    }


def reference(input_ids, token_type_ids, token_embedding, position_table, type_table, gamma, beta):
    seq_len = input_ids.shape[-2]
    position_ids = jnp.arange(seq_len, dtype=jnp.int32)
    position_embeddings = jnp.take(position_table, position_ids, axis=0)[None, :, :]
    token_type_embeddings = jnp.take(type_table, token_type_ids, axis=0)
    token_embeddings = jnp.matmul(input_ids, token_embedding)
    embeddings = token_embeddings + token_type_embeddings + position_embeddings
    mean = jnp.mean(embeddings, axis=-1, keepdims=True)
    var = jnp.mean(jnp.square(embeddings - mean), axis=-1, keepdims=True)
    normed = (embeddings - mean) / jnp.sqrt(var + 1e-3)
    out = normed * gamma + beta
    # dropout is inactive at inference (training=None)
    return out

if __name__ == "__main__":
    import jax
    _d = setup_inputs()
    print(jax.jit(kernel)(*tuple(_d.values())))

</pallas_src>

<mosaic_0001>
#map = affine_map<(d0, d1) -> (0, 0)>
#map1 = affine_map<(d0, d1) -> (0)>
module attributes {stable_mosaic.version = 14 : i64} {
  func.func @k(%arg0: i32, %arg1: i32, %arg2: memref<2x768xf32, #tpu.memory_space<hbm>>, %arg3: memref<8192xi32, #tpu.memory_space<hbm>>, %arg4: memref<8192x768xf32, #tpu.memory_space<hbm>>, %arg5: memref<256xi32, #tpu.memory_space<vmem>>, %arg6: memref<64x768xf32, #tpu.memory_space<vmem>>, %arg7: memref<!tpu.dma_semaphore, #tpu.memory_space<semaphore_mem>>) attributes {dimension_semantics = [#tpu.dimension_semantics<core_parallel>, #tpu.dimension_semantics<subcore_parallel>], iteration_bounds = array<i64: 2, 16>, scalar_prefetch = 0 : i64, scratch_operands = 3 : i64, tpu.core_type = #tpu.core_type<sc_vector_subcore>, window_params = [{transform_indices = #map}, {transform_indices = #map1}, {transform_indices = #map}]} {
    %mul3A = arith.constant 2 : i32
    %mul3A_0 = arith.muli %arg1, %mul3A : i32
    %add3A = arith.addi %mul3A_0, %arg0 : i32
    %mul3A_1 = arith.constant 256 : i32
    %mul3A_2 = arith.muli %add3A, %mul3A_1 : i32
    "tpu.region"() ({
      %run_scoped3A = tpu.sem_alloc : memref<!tpu.dma_semaphore, #tpu.memory_space<semaphore_mem>>
      %dma_start3A_49 = tpu.memref_slice %arg3[%mul3A_2] : memref<8192xi32, #tpu.memory_space<hbm>> -> memref<256xi32, #tpu.memory_space<hbm>>
      %dma_start3A_50 = tpu.memref_slice %arg3[%mul3A_2] : memref<8192xi32, #tpu.memory_space<hbm>> -> memref<256xi32, #tpu.memory_space<hbm>>
      tpu.enqueue_dma source(%dma_start3A_50 : memref<256xi32, #tpu.memory_space<hbm>>) target(%arg5 : memref<256xi32, #tpu.memory_space<vmem>>) target_semaphore(%run_scoped3A : memref<!tpu.dma_semaphore, #tpu.memory_space<semaphore_mem>>)
      %dma_wait3A_51 = tpu.memref_slice %arg3[%mul3A_2] : memref<8192xi32, #tpu.memory_space<hbm>> -> memref<256xi32, #tpu.memory_space<hbm>>
      %dma_wait3A_52 = tpu.memref_slice %arg3[%mul3A_2] : memref<8192xi32, #tpu.memory_space<hbm>> -> memref<256xi32, #tpu.memory_space<hbm>>
      tpu.wait_dma2 semaphore(%run_scoped3A : memref<!tpu.dma_semaphore, #tpu.memory_space<semaphore_mem>>) src(%dma_wait3A_52 : memref<256xi32, #tpu.memory_space<hbm>>) dst(%arg5 : memref<256xi32, #tpu.memory_space<vmem>>)
      tpu.yield
    }) : () -> ()
    %dma_start3A = arith.constant 0 : i32
    %dma_start3A_3 = tpu.memref_slice %arg5[%dma_start3A] : memref<256xi32, #tpu.memory_space<vmem>> -> memref<64xi32, #tpu.memory_space<vmem>>
    %dma_start3A_4 = arith.constant 0 : i32
    %dma_start3A_5 = arith.constant 0 : i32
    %dma_start3A_6 = tpu.memref_slice %arg2[%dma_start3A_4, %dma_start3A_5] : memref<2x768xf32, #tpu.memory_space<hbm>> -> memref<2x768xf32, #tpu.memory_space<hbm>>
    tpu.enqueue_indirect_dma source(%dma_start3A_6 : memref<2x768xf32, #tpu.memory_space<hbm>>) target(%arg6 : memref<64x768xf32, #tpu.memory_space<vmem>>) offsets(%dma_start3A_3 : memref<64xi32, #tpu.memory_space<vmem>>) semaphore(%arg7 : memref<!tpu.dma_semaphore, #tpu.memory_space<semaphore_mem>>)
    %dma_wait3A = arith.constant 0 : i32
    %dma_wait3A_7 = tpu.memref_slice %arg5[%dma_wait3A] : memref<256xi32, #tpu.memory_space<vmem>> -> memref<64xi32, #tpu.memory_space<vmem>>
    %dma_wait3A_8 = arith.constant 0 : i32
    %dma_wait3A_9 = arith.constant 0 : i32
    %dma_wait3A_10 = tpu.memref_slice %arg2[%dma_wait3A_8, %dma_wait3A_9] : memref<2x768xf32, #tpu.memory_space<hbm>> -> memref<2x768xf32, #tpu.memory_space<hbm>>
    tpu.wait_indirect_dma semaphore(%arg7 : memref<!tpu.dma_semaphore, #tpu.memory_space<semaphore_mem>>) src(%dma_wait3A_10 : memref<2x768xf32, #tpu.memory_space<hbm>>) dst(%arg6 : memref<64x768xf32, #tpu.memory_space<vmem>>)
    %add3A_11 = arith.constant 0 : i32
    %add3A_12 = arith.addi %mul3A_2, %add3A_11 : i32
    "tpu.region"() ({
      %run_scoped3A = tpu.sem_alloc : memref<!tpu.dma_semaphore, #tpu.memory_space<semaphore_mem>>
      %dma_start3A_49 = arith.constant 0 : i32
      %dma_start3A_50 = tpu.memref_slice %arg4[%add3A_12, %dma_start3A_49] : memref<8192x768xf32, #tpu.memory_space<hbm>> -> memref<64x768xf32, #tpu.memory_space<hbm>>
      %dma_start3A_51 = arith.constant 0 : i32
      %dma_start3A_52 = tpu.memref_slice %arg4[%add3A_12, %dma_start3A_51] : memref<8192x768xf32, #tpu.memory_space<hbm>> -> memref<64x768xf32, #tpu.memory_space<hbm>>
      tpu.enqueue_dma source(%arg6 : memref<64x768xf32, #tpu.memory_space<vmem>>) target(%dma_start3A_52 : memref<64x768xf32, #tpu.memory_space<hbm>>) target_semaphore(%run_scoped3A : memref<!tpu.dma_semaphore, #tpu.memory_space<semaphore_mem>>)
      %dma_wait3A_53 = arith.constant 0 : i32
      %dma_wait3A_54 = tpu.memref_slice %arg4[%add3A_12, %dma_wait3A_53] : memref<8192x768xf32, #tpu.memory_space<hbm>> -> memref<64x768xf32, #tpu.memory_space<hbm>>
      %dma_wait3A_55 = arith.constant 0 : i32
      %dma_wait3A_56 = tpu.memref_slice %arg4[%add3A_12, %dma_wait3A_55] : memref<8192x768xf32, #tpu.memory_space<hbm>> -> memref<64x768xf32, #tpu.memory_space<hbm>>
      tpu.wait_dma2 semaphore(%run_scoped3A : memref<!tpu.dma_semaphore, #tpu.memory_space<semaphore_mem>>) src(%arg6 : memref<64x768xf32, #tpu.memory_space<vmem>>) dst(%dma_wait3A_56 : memref<64x768xf32, #tpu.memory_space<hbm>>)
      tpu.yield
    }) : () -> ()
    %dma_start3A_13 = arith.constant 64 : i32
    %dma_start3A_14 = tpu.memref_slice %arg5[%dma_start3A_13] : memref<256xi32, #tpu.memory_space<vmem>> -> memref<64xi32, #tpu.memory_space<vmem>>
    %dma_start3A_15 = arith.constant 0 : i32
    %dma_start3A_16 = arith.constant 0 : i32
    %dma_start3A_17 = tpu.memref_slice %arg2[%dma_start3A_15, %dma_start3A_16] : memref<2x768xf32, #tpu.memory_space<hbm>> -> memref<2x768xf32, #tpu.memory_space<hbm>>
    tpu.enqueue_indirect_dma source(%dma_start3A_17 : memref<2x768xf32, #tpu.memory_space<hbm>>) target(%arg6 : memref<64x768xf32, #tpu.memory_space<vmem>>) offsets(%dma_start3A_14 : memref<64xi32, #tpu.memory_space<vmem>>) semaphore(%arg7 : memref<!tpu.dma_semaphore, #tpu.memory_space<semaphore_mem>>)
    %dma_wait3A_18 = arith.constant 64 : i32
    %dma_wait3A_19 = tpu.memref_slice %arg5[%dma_wait3A_18] : memref<256xi32, #tpu.memory_space<vmem>> -> memref<64xi32, #tpu.memory_space<vmem>>
    %dma_wait3A_20 = arith.constant 0 : i32
    %dma_wait3A_21 = arith.constant 0 : i32
    %dma_wait3A_22 = tpu.memref_slice %arg2[%dma_wait3A_20, %dma_wait3A_21] : memref<2x768xf32, #tpu.memory_space<hbm>> -> memref<2x768xf32, #tpu.memory_space<hbm>>
    tpu.wait_indirect_dma semaphore(%arg7 : memref<!tpu.dma_semaphore, #tpu.memory_space<semaphore_mem>>) src(%dma_wait3A_22 : memref<2x768xf32, #tpu.memory_space<hbm>>) dst(%arg6 : memref<64x768xf32, #tpu.memory_space<vmem>>)
    %add3A_23 = arith.constant 64 : i32
    %add3A_24 = arith.addi %mul3A_2, %add3A_23 : i32
    "tpu.region"() ({
      %run_scoped3A = tpu.sem_alloc : memref<!tpu.dma_semaphore, #tpu.memory_space<semaphore_mem>>
      %dma_start3A_49 = arith.constant 0 : i32
      %dma_start3A_50 = tpu.memref_slice %arg4[%add3A_24, %dma_start3A_49] : memref<8192x768xf32, #tpu.memory_space<hbm>> -> memref<64x768xf32, #tpu.memory_space<hbm>>
      %dma_start3A_51 = arith.constant 0 : i32
      %dma_start3A_52 = tpu.memref_slice %arg4[%add3A_24, %dma_start3A_51] : memref<8192x768xf32, #tpu.memory_space<hbm>> -> memref<64x768xf32, #tpu.memory_space<hbm>>
      tpu.enqueue_dma source(%arg6 : memref<64x768xf32, #tpu.memory_space<vmem>>) target(%dma_start3A_52 : memref<64x768xf32, #tpu.memory_space<hbm>>) target_semaphore(%run_scoped3A : memref<!tpu.dma_semaphore, #tpu.memory_space<semaphore_mem>>)
      %dma_wait3A_53 = arith.constant 0 : i32
      %dma_wait3A_54 = tpu.memref_slice %arg4[%add3A_24, %dma_wait3A_53] : memref<8192x768xf32, #tpu.memory_space<hbm>> -> memref<64x768xf32, #tpu.memory_space<hbm>>
      %dma_wait3A_55 = arith.constant 0 : i32
      %dma_wait3A_56 = tpu.memref_slice %arg4[%add3A_24, %dma_wait3A_55] : memref<8192x768xf32, #tpu.memory_space<hbm>> -> memref<64x768xf32, #tpu.memory_space<hbm>>
      tpu.wait_dma2 semaphore(%run_scoped3A : memref<!tpu.dma_semaphore, #tpu.memory_space<semaphore_mem>>) src(%arg6 : memref<64x768xf32, #tpu.memory_space<vmem>>) dst(%dma_wait3A_56 : memref<64x768xf32, #tpu.memory_space<hbm>>)
      tpu.yield
    }) : () -> ()
    %dma_start3A_25 = arith.constant 128 : i32
    %dma_start3A_26 = tpu.memref_slice %arg5[%dma_start3A_25] : memref<256xi32, #tpu.memory_space<vmem>> -> memref<64xi32, #tpu.memory_space<vmem>>
    %dma_start3A_27 = arith.constant 0 : i32
    %dma_start3A_28 = arith.constant 0 : i32
    %dma_start3A_29 = tpu.memref_slice %arg2[%dma_start3A_27, %dma_start3A_28] : memref<2x768xf32, #tpu.memory_space<hbm>> -> memref<2x768xf32, #tpu.memory_space<hbm>>
    tpu.enqueue_indirect_dma source(%dma_start3A_29 : memref<2x768xf32, #tpu.memory_space<hbm>>) target(%arg6 : memref<64x768xf32, #tpu.memory_space<vmem>>) offsets(%dma_start3A_26 : memref<64xi32, #tpu.memory_space<vmem>>) semaphore(%arg7 : memref<!tpu.dma_semaphore, #tpu.memory_space<semaphore_mem>>)
    %dma_wait3A_30 = arith.constant 128 : i32
    %dma_wait3A_31 = tpu.memref_slice %arg5[%dma_wait3A_30] : memref<256xi32, #tpu.memory_space<vmem>> -> memref<64xi32, #tpu.memory_space<vmem>>
    %dma_wait3A_32 = arith.constant 0 : i32
    %dma_wait3A_33 = arith.constant 0 : i32
    %dma_wait3A_34 = tpu.memref_slice %arg2[%dma_wait3A_32, %dma_wait3A_33] : memref<2x768xf32, #tpu.memory_space<hbm>> -> memref<2x768xf32, #tpu.memory_space<hbm>>
    tpu.wait_indirect_dma semaphore(%arg7 : memref<!tpu.dma_semaphore, #tpu.memory_space<semaphore_mem>>) src(%dma_wait3A_34 : memref<2x768xf32, #tpu.memory_space<hbm>>) dst(%arg6 : memref<64x768xf32, #tpu.memory_space<vmem>>)
    %add3A_35 = arith.constant 128 : i32
    %add3A_36 = arith.addi %mul3A_2, %add3A_35 : i32
    "tpu.region"() ({
      %run_scoped3A = tpu.sem_alloc : memref<!tpu.dma_semaphore, #tpu.memory_space<semaphore_mem>>
      %dma_start3A_49 = arith.constant 0 : i32
      %dma_start3A_50 = tpu.memref_slice %arg4[%add3A_36, %dma_start3A_49] : memref<8192x768xf32, #tpu.memory_space<hbm>> -> memref<64x768xf32, #tpu.memory_space<hbm>>
      %dma_start3A_51 = arith.constant 0 : i32
      %dma_start3A_52 = tpu.memref_slice %arg4[%add3A_36, %dma_start3A_51] : memref<8192x768xf32, #tpu.memory_space<hbm>> -> memref<64x768xf32, #tpu.memory_space<hbm>>
      tpu.enqueue_dma source(%arg6 : memref<64x768xf32, #tpu.memory_space<vmem>>) target(%dma_start3A_52 : memref<64x768xf32, #tpu.memory_space<hbm>>) target_semaphore(%run_scoped3A : memref<!tpu.dma_semaphore, #tpu.memory_space<semaphore_mem>>)
      %dma_wait3A_53 = arith.constant 0 : i32
      %dma_wait3A_54 = tpu.memref_slice %arg4[%add3A_36, %dma_wait3A_53] : memref<8192x768xf32, #tpu.memory_space<hbm>> -> memref<64x768xf32, #tpu.memory_space<hbm>>
      %dma_wait3A_55 = arith.constant 0 : i32
      %dma_wait3A_56 = tpu.memref_slice %arg4[%add3A_36, %dma_wait3A_55] : memref<8192x768xf32, #tpu.memory_space<hbm>> -> memref<64x768xf32, #tpu.memory_space<hbm>>
      tpu.wait_dma2 semaphore(%run_scoped3A : memref<!tpu.dma_semaphore, #tpu.memory_space<semaphore_mem>>) src(%arg6 : memref<64x768xf32, #tpu.memory_space<vmem>>) dst(%dma_wait3A_56 : memref<64x768xf32, #tpu.memory_space<hbm>>)
      tpu.yield
    }) : () -> ()
    %dma_start3A_37 = arith.constant 192 : i32
    %dma_start3A_38 = tpu.memref_slice %arg5[%dma_start3A_37] : memref<256xi32, #tpu.memory_space<vmem>> -> memref<64xi32, #tpu.memory_space<vmem>>
    %dma_start3A_39 = arith.constant 0 : i32
    %dma_start3A_40 = arith.constant 0 : i32
    %dma_start3A_41 = tpu.memref_slice %arg2[%dma_start3A_39, %dma_start3A_40] : memref<2x768xf32, #tpu.memory_space<hbm>> -> memref<2x768xf32, #tpu.memory_space<hbm>>
    tpu.enqueue_indirect_dma source(%dma_start3A_41 : memref<2x768xf32, #tpu.memory_space<hbm>>) target(%arg6 : memref<64x768xf32, #tpu.memory_space<vmem>>) offsets(%dma_start3A_38 : memref<64xi32, #tpu.memory_space<vmem>>) semaphore(%arg7 : memref<!tpu.dma_semaphore, #tpu.memory_space<semaphore_mem>>)
    %dma_wait3A_42 = arith.constant 192 : i32
    %dma_wait3A_43 = tpu.memref_slice %arg5[%dma_wait3A_42] : memref<256xi32, #tpu.memory_space<vmem>> -> memref<64xi32, #tpu.memory_space<vmem>>
    %dma_wait3A_44 = arith.constant 0 : i32
    %dma_wait3A_45 = arith.constant 0 : i32
    %dma_wait3A_46 = tpu.memref_slice %arg2[%dma_wait3A_44, %dma_wait3A_45] : memref<2x768xf32, #tpu.memory_space<hbm>> -> memref<2x768xf32, #tpu.memory_space<hbm>>
    tpu.wait_indirect_dma semaphore(%arg7 : memref<!tpu.dma_semaphore, #tpu.memory_space<semaphore_mem>>) src(%dma_wait3A_46 : memref<2x768xf32, #tpu.memory_space<hbm>>) dst(%arg6 : memref<64x768xf32, #tpu.memory_space<vmem>>)
    %add3A_47 = arith.constant 192 : i32
    %add3A_48 = arith.addi %mul3A_2, %add3A_47 : i32
    "tpu.region"() ({
      %run_scoped3A = tpu.sem_alloc : memref<!tpu.dma_semaphore, #tpu.memory_space<semaphore_mem>>
      %dma_start3A_49 = arith.constant 0 : i32
      %dma_start3A_50 = tpu.memref_slice %arg4[%add3A_48, %dma_start3A_49] : memref<8192x768xf32, #tpu.memory_space<hbm>> -> memref<64x768xf32, #tpu.memory_space<hbm>>
      %dma_start3A_51 = arith.constant 0 : i32
      %dma_start3A_52 = tpu.memref_slice %arg4[%add3A_48, %dma_start3A_51] : memref<8192x768xf32, #tpu.memory_space<hbm>> -> memref<64x768xf32, #tpu.memory_space<hbm>>
      tpu.enqueue_dma source(%arg6 : memref<64x768xf32, #tpu.memory_space<vmem>>) target(%dma_start3A_52 : memref<64x768xf32, #tpu.memory_space<hbm>>) target_semaphore(%run_scoped3A : memref<!tpu.dma_semaphore, #tpu.memory_space<semaphore_mem>>)
      %dma_wait3A_53 = arith.constant 0 : i32
      %dma_wait3A_54 = tpu.memref_slice %arg4[%add3A_48, %dma_wait3A_53] : memref<8192x768xf32, #tpu.memory_space<hbm>> -> memref<64x768xf32, #tpu.memory_space<hbm>>
      %dma_wait3A_55 = arith.constant 0 : i32
      %dma_wait3A_56 = tpu.memref_slice %arg4[%add3A_48, %dma_wait3A_55] : memref<8192x768xf32, #tpu.memory_space<hbm>> -> memref<64x768xf32, #tpu.memory_space<hbm>>
      tpu.wait_dma2 semaphore(%run_scoped3A : memref<!tpu.dma_semaphore, #tpu.memory_space<semaphore_mem>>) src(%arg6 : memref<64x768xf32, #tpu.memory_space<vmem>>) dst(%dma_wait3A_56 : memref<64x768xf32, #tpu.memory_space<hbm>>)
      tpu.yield
    }) : () -> ()
    return
  }
}

module attributes {stable_mosaic.version = 14 : i64} {
  func.func @_body(%arg0: i32, %arg1: memref<1x512x1000xf32, #tpu.memory_space<vmem>>, %arg2: memref<1x512x1000xf32, #tpu.memory_space<vmem>>, %arg3: memref<1024x768xf32, #tpu.memory_space<vmem>>, %arg4: memref<1000x768xf32, #tpu.memory_space<vmem>>, %arg5: memref<2048x768xf32, #tpu.memory_space<vmem>>, %arg6: memref<2x768xf32, #tpu.memory_space<vmem>>, %arg7: memref<1x1024x768xf32, #tpu.memory_space<vmem>>) attributes {dimension_semantics = [#tpu.dimension_semantics<arbitrary>], iteration_bounds = array<i64: 8>, scalar_prefetch = 0 : i64, scratch_operands = 0 : i64, tpu.core_type = #tpu.core_type<tc>, window_params = [{transform_indices = @transform_0, window_bounds = array<i64: 1, 512, 1000>}, {transform_indices = @transform_1, window_bounds = array<i64: 1, 512, 1000>}, {transform_indices = @transform_2, window_bounds = array<i64: 1024, 768>}, {pipeline_mode = #tpu.pipeline_mode<synchronous>, transform_indices = @transform_3, window_bounds = array<i64: 1000, 768>}, {pipeline_mode = #tpu.pipeline_mode<synchronous>, transform_indices = @transform_4, window_bounds = array<i64: 2048, 768>}, {pipeline_mode = #tpu.pipeline_mode<synchronous>, transform_indices = @transform_5, window_bounds = array<i64: 2, 768>}, {transform_indices = @transform_6, window_bounds = array<i64: 1, 1024, 768>}]} {
    %get3A = arith.constant 0 : index
    %get3A_0 = arith.constant 0 : index
    %get3A_1 = vector.load %arg4[%get3A, %get3A_0] : memref<1000x768xf32, #tpu.memory_space<vmem>>, vector<1000x768xf32>
    %get3A_2 = arith.constant 0 : index
    %get3A_3 = arith.constant 0 : index
    %get3A_4 = vector.load %arg6[%get3A_2, %get3A_3] : memref<2x768xf32, #tpu.memory_space<vmem>>, vector<1x768xf32>
    %get3A_5 = arith.constant 1 : index
    %get3A_6 = arith.constant 0 : index
    %get3A_7 = vector.load %arg6[%get3A_5, %get3A_6] : memref<2x768xf32, #tpu.memory_space<vmem>>, vector<1x768xf32>
    %jit3A = arith.constant 2 : i32
    %eq3A = arith.constant 0 : i32
    %eq3A_8 = arith.cmpi eq, %jit3A, %eq3A : i32
    %jit3A_9 = arith.constant 1 : i32
    %select_n3A = arith.select %eq3A_8, %jit3A_9, %jit3A : i32
    %rem3A = arith.remsi %arg0, %select_n3A : i32
    %ne3A = arith.constant 0 : i32
    %ne3A_10 = arith.cmpi ne, %rem3A, %ne3A : i32
    %lt3A = arith.constant 0 : i32
    %lt3A_11 = arith.cmpi slt, %rem3A, %lt3A : i32
    %lt3A_12 = arith.constant 0 : i32
    %lt3A_13 = arith.cmpi slt, %select_n3A, %lt3A_12 : i32
    %ne3A_14 = arith.xori %lt3A_11, %lt3A_13 : i1
    %and3A = arith.andi %ne3A_14, %ne3A_10 : i1
    %add3A = arith.addi %rem3A, %select_n3A : i32
    %select_n3A_15 = arith.select %and3A, %add3A, %rem3A : i32
    %get3A_16 = arith.constant 0 : index
    %get3A_17 = arith.constant 0 : index
    %get3A_18 = arith.constant 0 : index
    %get3A_19 = vector.load %arg1[%get3A_16, %get3A_17, %get3A_18] : memref<1x512x1000xf32, #tpu.memory_space<vmem>>, vector<1x512x1000xf32>
    %get3A_20 = vector.shape_cast %get3A_19 : vector<1x512x1000xf32> to vector<512x1000xf32>
    %dot_general3A = arith.constant dense<0.000000e+00> : vector<512x768xf32>
    %dot_general3A_21 = tpu.matmul %get3A_20, %get3A_1, %dot_general3A {dimension_numbers = #tpu.dot_dimension_numbers<[1], [0], [0], [1], [0, 0, 1, 1], [], []>, transpose_lhs_hint = false} : vector<512x1000xf32>, vector<1000x768xf32>, vector<512x768xf32> -> vector<512x768xf32>
    %mul3A = arith.constant 1024 : i32
    %mul3A_22 = arith.muli %select_n3A_15, %mul3A : i32
    %add3A_23 = arith.constant 0 : i32
    %add3A_24 = arith.addi %mul3A_22, %add3A_23 : i32
    %get3A_25 = arith.index_cast %add3A_24 : i32 to index
    %get3A_26 = arith.constant 0 : index
    %get3A_27 = vector.load %arg5[%get3A_25, %get3A_26] : memref<2048x768xf32, #tpu.memory_space<vmem>>, vector<512x768xf32>
    %add3A_28 = arith.addf %dot_general3A_21, %get3A_27 : vector<512x768xf32>
    %get3A_29 = arith.constant 0 : index
    %get3A_30 = arith.constant 0 : index
    %get3A_31 = vector.load %arg3[%get3A_29, %get3A_30] : memref<1024x768xf32, #tpu.memory_space<vmem>>, vector<512x768xf32>
    %add3A_32 = arith.addf %add3A_28, %get3A_31 : vector<512x768xf32>
    %reduce_sum3A = arith.constant dense<0.000000e+00> : vector<512xf32>
    %reduce_sum3A_33 = vector.multi_reduction <add>, %add3A_32, %reduce_sum3A [1] : vector<512x768xf32> to vector<512xf32>
    %broadcast_in_dim3A = vector.shape_cast %reduce_sum3A_33 : vector<512xf32> to vector<512x1xf32>
    %div3A = arith.constant 7.680000e+02 : f32
    %div3A_34 = vector.broadcast %div3A : f32 to vector<512x1xf32>
    %div3A_35 = arith.divf %broadcast_in_dim3A, %div3A_34 : vector<512x1xf32>
    %sub3A = vector.broadcast %div3A_35 : vector<512x1xf32> to vector<512x768xf32>
    %sub3A_36 = arith.subf %add3A_32, %sub3A : vector<512x768xf32>
    %mul3A_37 = arith.mulf %sub3A_36, %sub3A_36 : vector<512x768xf32>
    %reduce_sum3A_38 = arith.constant dense<0.000000e+00> : vector<512xf32>
    %reduce_sum3A_39 = vector.multi_reduction <add>, %mul3A_37, %reduce_sum3A_38 [1] : vector<512x768xf32> to vector<512xf32>
    %broadcast_in_dim3A_40 = vector.shape_cast %reduce_sum3A_39 : vector<512xf32> to vector<512x1xf32>
    %div3A_41 = arith.constant 7.680000e+02 : f32
    %div3A_42 = vector.broadcast %div3A_41 : f32 to vector<512x1xf32>
    %div3A_43 = arith.divf %broadcast_in_dim3A_40, %div3A_42 : vector<512x1xf32>
    %add3A_44 = arith.constant 1.000000e-03 : f32
    %add3A_45 = vector.broadcast %add3A_44 : f32 to vector<512x1xf32>
    %add3A_46 = arith.addf %div3A_43, %add3A_45 : vector<512x1xf32>
    %rsqrt3A = math.rsqrt %add3A_46 : vector<512x1xf32>
    %mul3A_47 = vector.broadcast %rsqrt3A : vector<512x1xf32> to vector<512x768xf32>
    %mul3A_48 = arith.mulf %sub3A_36, %mul3A_47 : vector<512x768xf32>
    %mul3A_49 = vector.broadcast %get3A_4 : vector<1x768xf32> to vector<512x768xf32>
    %mul3A_50 = arith.mulf %mul3A_48, %mul3A_49 : vector<512x768xf32>
    %add3A_51 = vector.broadcast %get3A_7 : vector<1x768xf32> to vector<512x768xf32>
    %add3A_52 = arith.addf %mul3A_50, %add3A_51 : vector<512x768xf32>
    %swap3A = arith.constant 0 : index
    %swap3A_53 = arith.constant 0 : index
    %swap3A_54 = arith.constant 0 : index
    %swap3A_55 = vector.load %arg7[%swap3A, %swap3A_53, %swap3A_54] : memref<1x1024x768xf32, #tpu.memory_space<vmem>>, vector<1x512x768xf32>
    %swap3A_56 = vector.shape_cast %swap3A_55 : vector<1x512x768xf32> to vector<512x768xf32>
    %swap3A_57 = vector.shape_cast %add3A_52 : vector<512x768xf32> to vector<1x512x768xf32>
    tpu.vector_store %arg7[%swap3A, %swap3A_53, %swap3A_54], %swap3A_57 {strides = array<i32>} : memref<1x1024x768xf32, #tpu.memory_space<vmem>>, vector<1x512x768xf32>,
    %get3A_58 = arith.constant 0 : index
    %get3A_59 = arith.constant 0 : index
    %get3A_60 = arith.constant 0 : index
    %get3A_61 = vector.load %arg2[%get3A_58, %get3A_59, %get3A_60] : memref<1x512x1000xf32, #tpu.memory_space<vmem>>, vector<1x512x1000xf32>
    %get3A_62 = vector.shape_cast %get3A_61 : vector<1x512x1000xf32> to vector<512x1000xf32>
    %dot_general3A_63 = arith.constant dense<0.000000e+00> : vector<512x768xf32>
    %dot_general3A_64 = tpu.matmul %get3A_62, %get3A_1, %dot_general3A_63 {dimension_numbers = #tpu.dot_dimension_numbers<[1], [0], [0], [1], [0, 0, 1, 1], [], []>, transpose_lhs_hint = false} : vector<512x1000xf32>, vector<1000x768xf32>, vector<512x768xf32> -> vector<512x768xf32>
    %mul3A_65 = arith.constant 1024 : i32
    %mul3A_66 = arith.muli %select_n3A_15, %mul3A_65 : i32
    %add3A_67 = arith.constant 512 : i32
    %add3A_68 = arith.addi %mul3A_66, %add3A_67 : i32
    %get3A_69 = arith.index_cast %add3A_68 : i32 to index
    %get3A_70 = arith.constant 0 : index
    %get3A_71 = vector.load %arg5[%get3A_69, %get3A_70] : memref<2048x768xf32, #tpu.memory_space<vmem>>, vector<512x768xf32>
    %add3A_72 = arith.addf %dot_general3A_64, %get3A_71 : vector<512x768xf32>
    %get3A_73 = arith.constant 512 : index
    %get3A_74 = arith.constant 0 : index
    %get3A_75 = vector.load %arg3[%get3A_73, %get3A_74] : memref<1024x768xf32, #tpu.memory_space<vmem>>, vector<512x768xf32>
    %add3A_76 = arith.addf %add3A_72, %get3A_75 : vector<512x768xf32>
    %reduce_sum3A_77 = arith.constant dense<0.000000e+00> : vector<512xf32>
    %reduce_sum3A_78 = vector.multi_reduction <add>, %add3A_76, %reduce_sum3A_77 [1] : vector<512x768xf32> to vector<512xf32>
    %broadcast_in_dim3A_79 = vector.shape_cast %reduce_sum3A_78 : vector<512xf32> to vector<512x1xf32>
    %div3A_80 = arith.constant 7.680000e+02 : f32
    %div3A_81 = vector.broadcast %div3A_80 : f32 to vector<512x1xf32>
    %div3A_82 = arith.divf %broadcast_in_dim3A_79, %div3A_81 : vector<512x1xf32>
    %sub3A_83 = vector.broadcast %div3A_82 : vector<512x1xf32> to vector<512x768xf32>
    %sub3A_84 = arith.subf %add3A_76, %sub3A_83 : vector<512x768xf32>
    %mul3A_85 = arith.mulf %sub3A_84, %sub3A_84 : vector<512x768xf32>
    %reduce_sum3A_86 = arith.constant dense<0.000000e+00> : vector<512xf32>
    %reduce_sum3A_87 = vector.multi_reduction <add>, %mul3A_85, %reduce_sum3A_86 [1] : vector<512x768xf32> to vector<512xf32>
    %broadcast_in_dim3A_88 = vector.shape_cast %reduce_sum3A_87 : vector<512xf32> to vector<512x1xf32>
    %div3A_89 = arith.constant 7.680000e+02 : f32
    %div3A_90 = vector.broadcast %div3A_89 : f32 to vector<512x1xf32>
    %div3A_91 = arith.divf %broadcast_in_dim3A_88, %div3A_90 : vector<512x1xf32>
    %add3A_92 = arith.constant 1.000000e-03 : f32
    %add3A_93 = vector.broadcast %add3A_92 : f32 to vector<512x1xf32>
    %add3A_94 = arith.addf %div3A_91, %add3A_93 : vector<512x1xf32>
    %rsqrt3A_95 = math.rsqrt %add3A_94 : vector<512x1xf32>
    %mul3A_96 = vector.broadcast %rsqrt3A_95 : vector<512x1xf32> to vector<512x768xf32>
    %mul3A_97 = arith.mulf %sub3A_84, %mul3A_96 : vector<512x768xf32>
    %mul3A_98 = vector.broadcast %get3A_4 : vector<1x768xf32> to vector<512x768xf32>
    %mul3A_99 = arith.mulf %mul3A_97, %mul3A_98 : vector<512x768xf32>
    %add3A_100 = vector.broadcast %get3A_7 : vector<1x768xf32> to vector<512x768xf32>
    %add3A_101 = arith.addf %mul3A_99, %add3A_100 : vector<512x768xf32>
    %swap3A_102 = arith.constant 0 : index
    %swap3A_103 = arith.constant 512 : index
    %swap3A_104 = arith.constant 0 : index
    %swap3A_105 = vector.load %arg7[%swap3A_102, %swap3A_103, %swap3A_104] : memref<1x1024x768xf32, #tpu.memory_space<vmem>>, vector<1x512x768xf32>
    %swap3A_106 = vector.shape_cast %swap3A_105 : vector<1x512x768xf32> to vector<512x768xf32>
    %swap3A_107 = vector.shape_cast %add3A_101 : vector<512x768xf32> to vector<1x512x768xf32>
    tpu.vector_store %arg7[%swap3A_102, %swap3A_103, %swap3A_104], %swap3A_107 {strides = array<i32>} : memref<1x1024x768xf32, #tpu.memory_space<vmem>>, vector<1x512x768xf32>,
    return
  }
  func.func @transform_0(%arg0: i32) -> (i32, i32, i32) {
    %jit3A = arith.constant 2 : i32
    %div3A = arith.divsi %arg0, %jit3A : i32
    %sign3A = arith.constant 0 : i32
    %sign3A_0 = arith.cmpi sgt, %arg0, %sign3A : i32
    %sign3A_1 = arith.extui %sign3A_0 : i1 to i32
    %sign3A_2 = arith.constant 0 : i32
    %sign3A_3 = arith.cmpi slt, %arg0, %sign3A_2 : i32
    %sign3A_4 = arith.extui %sign3A_3 : i1 to i32
    %sign3A_5 = arith.subi %sign3A_1, %sign3A_4 : i32
    %sign3A_6 = arith.constant 0 : i32
    %sign3A_7 = arith.cmpi sgt, %jit3A, %sign3A_6 : i32
    %sign3A_8 = arith.extui %sign3A_7 : i1 to i32
    %sign3A_9 = arith.constant 0 : i32
    %sign3A_10 = arith.cmpi slt, %jit3A, %sign3A_9 : i32
    %sign3A_11 = arith.extui %sign3A_10 : i1 to i32
    %sign3A_12 = arith.subi %sign3A_8, %sign3A_11 : i32
    %ne3A = arith.cmpi ne, %sign3A_5, %sign3A_12 : i32
    %rem3A = arith.remsi %arg0, %jit3A : i32
    %ne3A_13 = arith.constant 0 : i32
    %ne3A_14 = arith.cmpi ne, %rem3A, %ne3A_13 : i32
    %and3A = arith.andi %ne3A, %ne3A_14 : i1
    %sub3A = arith.constant 1 : i32
    %sub3A_15 = arith.subi %div3A, %sub3A : i32
    %select_n3A = arith.select %and3A, %sub3A_15, %div3A : i32
    %jit3A_16 = arith.constant 2 : i32
    %eq3A = arith.constant 0 : i32
    %eq3A_17 = arith.cmpi eq, %jit3A_16, %eq3A : i32
    %jit3A_18 = arith.constant 1 : i32
    %select_n3A_19 = arith.select %eq3A_17, %jit3A_18, %jit3A_16 : i32
    %rem3A_20 = arith.remsi %arg0, %select_n3A_19 : i32
    %ne3A_21 = arith.constant 0 : i32
    %ne3A_22 = arith.cmpi ne, %rem3A_20, %ne3A_21 : i32
    %lt3A = arith.constant 0 : i32
    %lt3A_23 = arith.cmpi slt, %rem3A_20, %lt3A : i32
    %lt3A_24 = arith.constant 0 : i32
    %lt3A_25 = arith.cmpi slt, %select_n3A_19, %lt3A_24 : i32
    %ne3A_26 = arith.xori %lt3A_23, %lt3A_25 : i1
    %and3A_27 = arith.andi %ne3A_26, %ne3A_22 : i1
    %add3A = arith.addi %rem3A_20, %select_n3A_19 : i32
    %select_n3A_28 = arith.select %and3A_27, %add3A, %rem3A_20 : i32
    %mul3A = arith.constant 2 : i32
    %mul3A_29 = arith.muli %mul3A, %select_n3A_28 : i32
    %c0_i32 = arith.constant 0 : i32
    %c0_i32_30 = arith.constant 0 : i32
    return %select_n3A, %mul3A_29, %c0_i32 : i32, i32, i32
  }
  func.func @transform_1(%arg0: i32) -> (i32, i32, i32) {
    %jit3A = arith.constant 2 : i32
    %div3A = arith.divsi %arg0, %jit3A : i32
    %sign3A = arith.constant 0 : i32
    %sign3A_0 = arith.cmpi sgt, %arg0, %sign3A : i32
    %sign3A_1 = arith.extui %sign3A_0 : i1 to i32
    %sign3A_2 = arith.constant 0 : i32
    %sign3A_3 = arith.cmpi slt, %arg0, %sign3A_2 : i32
    %sign3A_4 = arith.extui %sign3A_3 : i1 to i32
    %sign3A_5 = arith.subi %sign3A_1, %sign3A_4 : i32
    %sign3A_6 = arith.constant 0 : i32
    %sign3A_7 = arith.cmpi sgt, %jit3A, %sign3A_6 : i32
    %sign3A_8 = arith.extui %sign3A_7 : i1 to i32
    %sign3A_9 = arith.constant 0 : i32
    %sign3A_10 = arith.cmpi slt, %jit3A, %sign3A_9 : i32
    %sign3A_11 = arith.extui %sign3A_10 : i1 to i32
    %sign3A_12 = arith.subi %sign3A_8, %sign3A_11 : i32
    %ne3A = arith.cmpi ne, %sign3A_5, %sign3A_12 : i32
    %rem3A = arith.remsi %arg0, %jit3A : i32
    %ne3A_13 = arith.constant 0 : i32
    %ne3A_14 = arith.cmpi ne, %rem3A, %ne3A_13 : i32
    %and3A = arith.andi %ne3A, %ne3A_14 : i1
    %sub3A = arith.constant 1 : i32
    %sub3A_15 = arith.subi %div3A, %sub3A : i32
    %select_n3A = arith.select %and3A, %sub3A_15, %div3A : i32
    %jit3A_16 = arith.constant 2 : i32
    %eq3A = arith.constant 0 : i32
    %eq3A_17 = arith.cmpi eq, %jit3A_16, %eq3A : i32
    %jit3A_18 = arith.constant 1 : i32
    %select_n3A_19 = arith.select %eq3A_17, %jit3A_18, %jit3A_16 : i32
    %rem3A_20 = arith.remsi %arg0, %select_n3A_19 : i32
    %ne3A_21 = arith.constant 0 : i32
    %ne3A_22 = arith.cmpi ne, %rem3A_20, %ne3A_21 : i32
    %lt3A = arith.constant 0 : i32
    %lt3A_23 = arith.cmpi slt, %rem3A_20, %lt3A : i32
    %lt3A_24 = arith.constant 0 : i32
    %lt3A_25 = arith.cmpi slt, %select_n3A_19, %lt3A_24 : i32
    %ne3A_26 = arith.xori %lt3A_23, %lt3A_25 : i1
    %and3A_27 = arith.andi %ne3A_26, %ne3A_22 : i1
    %add3A = arith.addi %rem3A_20, %select_n3A_19 : i32
    %select_n3A_28 = arith.select %and3A_27, %add3A, %rem3A_20 : i32
    %mul3A = arith.constant 2 : i32
    %mul3A_29 = arith.muli %mul3A, %select_n3A_28 : i32
    %add3A_30 = arith.constant 1 : i32
    %add3A_31 = arith.addi %mul3A_29, %add3A_30 : i32
    %c0_i32 = arith.constant 0 : i32
    %c0_i32_32 = arith.constant 0 : i32
    return %select_n3A, %add3A_31, %c0_i32 : i32, i32, i32
  }
  func.func @transform_2(%arg0: i32) -> (i32, i32) {
    %c0_i32 = arith.constant 0 : i32
    %c0_i32_0 = arith.constant 0 : i32
    return %arg0, %c0_i32 : i32, i32
  }
  func.func @transform_3(%arg0: i32) -> (i32, i32) {
    %c0_i32 = arith.constant 0 : i32
    %c0_i32_0 = arith.constant 0 : i32
    %c0_i32_1 = arith.constant 0 : i32
    return %c0_i32, %c0_i32_0 : i32, i32
  }
  func.func @transform_4(%arg0: i32) -> (i32, i32) {
    %c0_i32 = arith.constant 0 : i32
    %c0_i32_0 = arith.constant 0 : i32
    %c0_i32_1 = arith.constant 0 : i32
    return %c0_i32, %c0_i32_0 : i32, i32
  }
  func.func @transform_5(%arg0: i32) -> (i32, i32) {
    %c0_i32 = arith.constant 0 : i32
    %c0_i32_0 = arith.constant 0 : i32
    %c0_i32_1 = arith.constant 0 : i32
    return %c0_i32, %c0_i32_0 : i32, i32
  }
  func.func @transform_6(%arg0: i32) -> (i32, i32, i32) {
    %jit3A = arith.constant 2 : i32
    %div3A = arith.divsi %arg0, %jit3A : i32
    %sign3A = arith.constant 0 : i32
    %sign3A_0 = arith.cmpi sgt, %arg0, %sign3A : i32
    %sign3A_1 = arith.extui %sign3A_0 : i1 to i32
    %sign3A_2 = arith.constant 0 : i32
    %sign3A_3 = arith.cmpi slt, %arg0, %sign3A_2 : i32
    %sign3A_4 = arith.extui %sign3A_3 : i1 to i32
    %sign3A_5 = arith.subi %sign3A_1, %sign3A_4 : i32
    %sign3A_6 = arith.constant 0 : i32
    %sign3A_7 = arith.cmpi sgt, %jit3A, %sign3A_6 : i32
    %sign3A_8 = arith.extui %sign3A_7 : i1 to i32
    %sign3A_9 = arith.constant 0 : i32
    %sign3A_10 = arith.cmpi slt, %jit3A, %sign3A_9 : i32
    %sign3A_11 = arith.extui %sign3A_10 : i1 to i32
    %sign3A_12 = arith.subi %sign3A_8, %sign3A_11 : i32
    %ne3A = arith.cmpi ne, %sign3A_5, %sign3A_12 : i32
    %rem3A = arith.remsi %arg0, %jit3A : i32
    %ne3A_13 = arith.constant 0 : i32
    %ne3A_14 = arith.cmpi ne, %rem3A, %ne3A_13 : i32
    %and3A = arith.andi %ne3A, %ne3A_14 : i1
    %sub3A = arith.constant 1 : i32
    %sub3A_15 = arith.subi %div3A, %sub3A : i32
    %select_n3A = arith.select %and3A, %sub3A_15, %div3A : i32
    %jit3A_16 = arith.constant 2 : i32
    %eq3A = arith.constant 0 : i32
    %eq3A_17 = arith.cmpi eq, %jit3A_16, %eq3A : i32
    %jit3A_18 = arith.constant 1 : i32
    %select_n3A_19 = arith.select %eq3A_17, %jit3A_18, %jit3A_16 : i32
    %rem3A_20 = arith.remsi %arg0, %select_n3A_19 : i32
    %ne3A_21 = arith.constant 0 : i32
    %ne3A_22 = arith.cmpi ne, %rem3A_20, %ne3A_21 : i32
    %lt3A = arith.constant 0 : i32
    %lt3A_23 = arith.cmpi slt, %rem3A_20, %lt3A : i32
    %lt3A_24 = arith.constant 0 : i32
    %lt3A_25 = arith.cmpi slt, %select_n3A_19, %lt3A_24 : i32
    %ne3A_26 = arith.xori %lt3A_23, %lt3A_25 : i1
    %and3A_27 = arith.andi %ne3A_26, %ne3A_22 : i1
    %add3A = arith.addi %rem3A_20, %select_n3A_19 : i32
    %select_n3A_28 = arith.select %and3A_27, %add3A, %rem3A_20 : i32
    %c0_i32 = arith.constant 0 : i32
    %c0_i32_29 = arith.constant 0 : i32
    return %select_n3A, %select_n3A_28, %c0_i32 : i32, i32, i32
  }
}

</mosaic_0001>

<sc_bundles>
// kernel: kernel.4.cloned.1.call-start
scs
__scs_entry_jumppad:
0x0: {  	(pc) =	sbr.rel $0x88, $3  }
0x1: {  	(tag) =	ssettag $0x0;
	lr =	simm.s32 $0x1  }
0x2: {  	[smem:$0x3F9A] =	sst lr;
	_ =	strace $0xD0000000  }
0x3: {  	_ = 	snop  }
0x4: {  	_ = 	snop  }
0x5: {  	_ = 	snop  }
0x6: {  	_ = 	snop  }
0x7: {  	_ = 	snop  }
__scs_overlays_trampoline_lowered:
0x8: {  	[smem:$0x3FA9] =	sst s0  }
0x9: {  	[smem:$0x3FAA] =	sst s1  }
0xa: {  	[smem:$0x3FAB] =	sst s2  }
0xb: {  	[smem:$0x3FAC] =	sst s3  }
0xc: {  	[smem:$0x3FAD] =	sst s4  }
0xd: {  	[smem:$0x3FAE] =	sst s5  }
0xe: {  	[smem:$0x3FAF] =	sst s6  }
0xf: {  	[smem:$0x3FB0] =	sst s7  }
0x10: {  	[smem:$0x3FB1] =	sst s8  }
0x11: {  	[smem:$0x3FB2] =	sst s9;
	s0 =	simm.s32 @!p0 $0x0  }
0x12: {  	s1 =	sld [smem:$0x3F98];
	s0 =	simm.s32 @p0 $0x1  }
0x13: {  	[smem:$0x3FB3] =	sst s0;
	s0 =	simm.s32 @!p1 $0x0  }
0x14: {  	s2 =	sld [smem:$0x3F97];
	s0 =	simm.s32 @p1 $0x1  }
0x15: {  	[smem:$0x3FB4] =	sst s0;
	s0 =	simm.s32 @!p2 $0x0  }
0x16: {  	s3 =	sld [smem:$0x3FDB];
	s0 =	simm.s32 @p2 $0x1  }
0x17: {  	s4 =	simm.s32 $0x1BF5;
	[smem:$0x3FB6] =	sst s0  }
0x18: {  	s0 =	sld [smem:$0x3F99];
	_ =	swait.ge [sflag:s4], $0x0  }
0x19: {  	s7 =	sld [smem:$0x3F9A]  }
0x1a: {  	s8 =	sadd.s32 $0xFFFFE003, lr  }
0x1b: {  	s9 =	sadd.s32 $0xFFFFFEF7, lr;
	s5 =	simm.s32 $0xFFFFFFFF;
	p2 =	slt.u32 s8, $0xFFFFF086  }
0x1c: {  	p1 =	slt.u32 s9, $0xF7A;
	s5 =	simm.s32 @!p2 $0x0  }
0x1d: {  	s5 =	simm.s32 @p1 $0x1;
	p0 =	seq.s32 s7, s2  }
0x1e: {  	s7 =	smul.u32 @!p0 $0xF7A, s2;
	p2 =	seq.s32 @!p0 s5, $0x0  }
0x1f: {  	s9 =	smul.u32 $0xF7A, s1;
	s8 =	simm.s32 @!p0 $0x1BF5;
	p2 =	por !p2, p0  }
0x20: {  	[sflag:s8] =	ssyncset.s32 @!p0 $0xFFFFF086;
	s6 =	sadd.s32 @!p0 s3, s7;
	s7 =	simm.s32 @!p0 $0x108  }
0x21: {  	s3 =	sadd.s32 s3, s9;
	s6 =	sadd.s32 @!p0 $0x88, s6;
	s7 =	simm.s32 @p2 $0x1082  }
0x22: {  	[simem:s7], [sflag:s8] =	dma.local @!p0 [hbm:s6], $0xF7A  }
0x23: {  	s9 =	sor.u32 $0xD0000000, s2;
	s6 =	simm.s32 $0x108;
	_ =	swait.ge @!p0 [sflag:s8], $0x0  }
0x24: {  	s3 =	sadd.s32 $0x88, s3;
	s6 =	simm.s32 @!p1 $0x1082;
	[sflag:s4] =	ssyncset.s32 $0xFFFFF086  }
0x25: {  	[simem:s6], [sflag:s4] =	dma.local [hbm:s3], $0xF7A  }
0x26: {  	[smem:$0x3F9A] =	sst s1;
	(tag) =	ssettag s2;
	_ =	strace s9  }
0x27: {  	s1 =	sld [smem:$0x3FAA]  }
0x28: {  	s2 =	sld [smem:$0x3FAB]  }
0x29: {  	s4 =	sld [smem:$0x3FAD]  }
0x2a: {  	p0 =	seq.s32 s5, $0x0;
	s5 =	sld [smem:$0x3FAE]  }
0x2b: {  	s6 =	sld [smem:$0x3FAF]  }
0x2c: {  	s7 =	sld [smem:$0x3FB0]  }
0x2d: {  	s3 =	simm.s32 $0x108;
	s8 =	sld [smem:$0x3FB1]  }
0x2e: {  	s3 =	simm.s32 @!p0 $0x1082;
	s9 =	sld [smem:$0x3FB2]  }
0x2f: {  	lr =	sadd.s32 s0, s3;
	s0 =	sld [smem:$0x3FA9]  }
0x30: {  	s3 =	sld [smem:$0x3FAC]  }
0x31: {  	[smem:$0x3FB5] =	sst s10  }
0x32: {  	s10 =	sld [smem:$0x3FB3];
	_ =	sdelay $0x3  }
0x33: {  	p0 =	seq.s32 s10, $0x1;
	s10 =	sld [smem:$0x3FB5];
	_ =	sdelay $0x3  }
0x34: {  	[smem:$0x3FB5] =	sst s10  }
0x35: {  	s10 =	sld [smem:$0x3FB4];
	_ =	sdelay $0x3  }
0x36: {  	p1 =	seq.s32 s10, $0x1;
	s10 =	sld [smem:$0x3FB5];
	_ =	sdelay $0x3  }
0x37: {  	[smem:$0x3FB5] =	sst s10  }
0x38: {  	s10 =	sld [smem:$0x3FB6]  }
0x39: {  	_ = 	snop;
	(pc) =	sbr.ind lr, $3  }
0x3a: {  	_ = 	snop  }
0x3b: {  	_ = 	snop  }
0x3c: {  	p2 =	seq.s32 s10, $0x1;
	s10 =	sld [smem:$0x3FB5]  }
0x3d: {  	_ =	shalt  }
0x3e: {  	_ =	shalt  }
0x3f: {  	_ =	shalt  }
0x40: {  	_ =	shalt  }
0x41: {  	_ =	shalt  }
0x42: {  	_ =	shalt  }
0x43: {  	_ =	shalt  }
0x44: {  	_ =	shalt  }
0x45: {  	_ =	shalt  }
0x46: {  	_ =	shalt  }
0x47: {  	_ =	shalt  }
0x48: {  	_ =	shalt  }
0x49: {  	_ =	shalt  }
0x4a: {  	_ =	shalt  }
0x4b: {  	_ =	shalt  }
0x4c: {  	_ =	shalt  }
0x4d: {  	_ =	shalt  }
0x4e: {  	_ =	shalt  }
0x4f: {  	_ =	shalt  }
0x50: {  	_ =	shalt  }
0x51: {  	_ =	shalt  }
0x52: {  	_ =	shalt  }
0x53: {  	_ =	shalt  }
0x54: {  	_ =	shalt  }
0x55: {  	_ =	shalt  }
0x56: {  	_ =	shalt  }
0x57: {  	_ =	shalt  }
0x58: {  	_ =	shalt  }
0x59: {  	_ =	shalt  }
0x5a: {  	_ =	shalt  }
0x5b: {  	_ =	shalt  }
0x5c: {  	_ =	shalt  }
0x5d: {  	_ =	shalt  }
0x5e: {  	_ =	shalt  }
0x5f: {  	_ =	shalt  }
0x60: {  	_ =	shalt  }
0x61: {  	_ =	shalt  }
0x62: {  	_ =	shalt  }
0x63: {  	_ =	shalt  }
0x64: {  	_ =	shalt  }
0x65: {  	_ =	shalt  }
0x66: {  	_ =	shalt  }
0x67: {  	_ =	shalt  }
0x68: {  	_ =	shalt  }
0x69: {  	_ =	shalt  }
0x6a: {  	_ =	shalt  }
0x6b: {  	_ =	shalt  }
0x6c: {  	_ =	shalt  }
0x6d: {  	_ =	shalt  }
0x6e: {  	_ =	shalt  }
0x6f: {  	_ =	shalt  }
0x70: {  	_ =	shalt  }
0x71: {  	_ =	shalt  }
0x72: {  	_ =	shalt  }
0x73: {  	_ =	shalt  }
0x74: {  	_ =	shalt  }
0x75: {  	_ =	shalt  }
0x76: {  	_ =	shalt  }
0x77: {  	_ =	shalt  }
0x78: {  	_ =	shalt  }
0x79: {  	_ =	shalt  }
0x7a: {  	_ =	shalt  }
0x7b: {  	_ =	shalt  }
0x7c: {  	_ =	shalt  }
0x7d: {  	_ =	shalt  }
0x7e: {  	_ =	shalt  }
0x7f: {  	_ =	shalt  }
0x80: {  	_ =	shalt  }
0x81: {  	_ =	shalt  }
0x82: {  	_ =	shalt  }
0x83: {  	_ =	shalt  }
0x84: {  	_ =	shalt  }
0x85: {  	_ =	shalt  }
0x86: {  	_ =	shalt  }
0x87: {  	_ =	shalt  }
.Lfunc_end0:
.L_simem_size_0:
called_computation_lowered:
.L_overlay_start_0:
0x88: {  	s2 =	sld [smem:$0x3FD9]  }
0x89: {  	s3 =	sld [smem:$0x3FFE];
	_ =	sdelay $0x1  }
0x8a: {  	s1 =	srdreg.scid  }
0x8b: {  	s0 =	sand.u32 $0x1, s1  }
0x8c: {  	s17 =	sshll.u32 s0, $0xA;
	s2 =	sadd.s32 s3, s2  }
0x8d: {  	s2 =	sadd.s32 s2, s17  }
0x8e: {  	[smem:$0x3FC1] =	sst s2  }
0x8f: {  	_ = 	snop  }
0x90: {  	s2 =	sld [smem:$0x3FC5]  }
0x91: {  	s18 =	sld [smem:$0x3FD0];
	(tm) =	ssettm $0x1  }
0x92: {  	s4 =	sld [smem:$0x3FFB];
	_ =	sdelay $0x3  }
0x93: {  	_ =	strace s4  }
0x94: {  	s4 =	sld [smem:$0x3FFC];
	_ =	sdelay $0x3  }
0x95: {  	_ =	strace s4  }
0x96: {  	s4 =	sld [smem:$0x3FFD];
	_ =	sdelay $0x3  }
0x97: {  	_ =	strace s4  }
0x98: {  	_ =	strace $0x8FFFFFFF  }
0x99: {  	s19 =	sld [smem:$0x3FDB];
	_ =	sdelay $0x1  }
0x9a: {  	s5 =	simm.s32 $_scs_section_size  }
0x9b: {  	s6 =	simm.s32 $_size__tile_overlayer_lowered;
	s7 =	simm.s32 $_tile_overlayer_lowered  }
0x9c: {  	s22 =	simm.s32 $0x1BFF;
	s21 =	sshll.u32 s7, $0x1;
	s4 =	sadd.s32 s5, s19  }
0x9d: {  	s8 =	simm.s32 $0x0;
	s20 =	sshll.u32 s6, $0x1;
	s6 =	sadd.s32 s21, s4  }
0x9e: {  	[timem:s8], [sflag:s22] =	dma.local [hbm:s6], s20  }
0x9f: {  	_ =	swait.ge [sflag:s22], s20  }
0xa0: {  	s5 =	ssub.s32 $0x0, s20;
	[sflag:s22] =	ssyncset.done $0x0  }
0xa1: {  	[sflag:s22] =	ssyncadd.s32 s5;
	_ =	sdelay $0x1  }
0xa2: {  	s23 =	simm.s32 $0x1B8B  }
0xa3: {  	_ =	swait.ge [sflag:s23], $0x1  }
0xa4: {  	[sflag:s23] =	ssyncset.done $0x0  }
0xa5: {  	s25 =	simm.s32 $0x1B8E;
	s24 =	sld [smem:$0x3FFE];
	[sflag:s23] =	ssyncadd.s32 $0xFFFFFFFF  }
0xa6: {  	s26 =	simm.s32 $execute0_lowered;
	[smem:$0x3FD2] =	sst s25  }
0xa7: {  	s6 =	sshll.u32 s26, $0x1;
	_ =	strace $0x80000046;
	[dreg:$0x1] =	wrdreg $0xFFFFFFFF  }
0xa8: {  	s28 =	simm.s32 $_size_execute0_lowered;
	s4 =	sadd.s32 s4, s6;
	[dreg:$0x0] =	wrdreg $0x0  }
0xa9: {  	s6 =	sshll.u32 s28, $0x1;
	[dreg:$0x2] =	wrdreg s4  }
0xaa: {  	[dreg:$0x3] =	wrdreg s6  }
0xab: {  	[dreg:$0x4] =	wrdreg $0xC0  }
0xac: {  	_ =	task [dreg:s8], $0x5FFFF  }
0xad: {  	[dreg:$0x1] =	wrdreg $0xFFFFFFFF  }
0xae: {  	[dreg:$0x0] =	wrdreg $0x60  }
0xaf: {  	[dreg:$0x2] =	wrdreg s2  }
0xb0: {  	[dreg:$0x3] =	wrdreg s18  }
0xb1: {  	[dreg:$0x4] =	wrdreg s24  }
0xb2: {  	[dreg:$0x5] =	wrdreg $0x9  }
0xb3: {  	_ =	task.clear_ibuf [dreg:s8], $0x6FFFF;
	_ =	strace $0x90000046  }
0xb4: {  	s29 =	simm.s32 $0x9;
	_ =	strace $0x80000048  }
0xb5: {  	_ =	swait.ge [sflag:s29], $0x1  }
0xb6: {  	[sflag:s29] =	ssyncadd.s32 $0xFFFFFFFF  }
0xb7: {  	_ =	strace $0x90000048  }
0xb8: {  	_ =	sfence  }
0xb9: {  	s30 =	sld [smem:$0x0];
	_ =	sdelay $0x2  }
0xba: {  	s31 =	sshll.u32 s1, $0xD;
	s1 =	sshrl.u32 s1, $0x2  }
0xbb: {  	s3 =	sand.u32 $0x4000, s31;
	s1 =	sadd.s32 s1, s30  }
0xbc: {  	s0 =	sor.u32 s3, s0;
	s1 =	sshll.u32 s1, $0x11  }
0xbd: {  	s0 =	sor.u32 s1, s0  }
0xbe: {  	s0 =	sadd.s32 $0x8F2B, s0  }
0xbf: {  	[sflag:s0] =	ssyncadd.remote.s32 $0x1  }
0xc0: {  	_ =	sfence.sel $0xFFFF  }
0xc1: {  	[dreg:$0x0] =	wrdreg $0xFFFFFFFF;
	(pc) =	sbr.abs _section_cstart, $3  }
0xc2: {  	[dreg:$0x1] =	wrdreg $0xFFFFFFFF  }
0xc3: {  	_ =	task.clear_ibuf [dreg:s8], $0x2FFFF;
	_ =	strace $0x9FFFFFFF  }
0xc4: {  	(tm) =	ssettm $0x7FFFFFFF  }
0xc5: {  	_ =	shalt  }
tec
execute0_lowered:
.L_overlay_start_1:
0x0: {  	(tag) =	ssettag $0x1  }
0x1: {  	s1 =	rddreg [dreg:$0x0]  }
0x2: {  	s0 =	srdreg.scid;
	s2 =	rddreg [dreg:$0x1]  }
0x3: {  	s3 =	stileid.u32;
	s5 =	rddreg [dreg:$0x2];
	s8 =	simm.s32 $0x2  }
0x4: {  	s9 =	simm.s32 $0x100;
	s11 =	simm.s32 $0x900;
	s12 =	simm.s32 $0x1100  }
0x5: {  	s13 =	simm.s32 $0x1900;
	s14 =	simm.s32 $0x2100;
	s15 =	simm.s32 $0x2900  }
0x6: {  	s16 =	simm.s32 $0x3100;
	s17 =	simm.s32 $0x3900;
	s18 =	simm.s32 $0x4100  }
0x7: {  	s19 =	simm.s32 $0x4900;
	s20 =	simm.s32 $0x5100;
	s21 =	simm.s32 $0x5900  }
0x8: {  	s28 =	simm.s32 $0x8900;
	s29 =	simm.s32 $0x9100;
	s0 =	sand.u32 $0x1, s0  }
0x9: {  	s30 =	simm.s32 $0x9900;
	s3 =	sshll.u32 s3, $0x6;
	s4 =	sshll.u32 s0, $0x5  }
0xa: {  	s31 =	simm.s32 $0xA100;
	s5 =	sadd.s32 $0xC00, s5;
	s4 =	sor.u32 s4, s3  }
0xb: {  	s0 =	ssub.s32 $0x2, s0;
	s3 =	simm.s32 $0x0;
	s6 =	smul.u32 $0x300, s4  }
0xc: {  	s24 =	sshrl.u32 s0, $0x1;
	[smem:$0x7FF] =	sst s3;
	s7 =	smul.u32 $0x1800, s4  }
0xd: {  	s2 =	sadd.s32 s2, s4;
	s0 =	ssub.s32 s0, s24;
	s24 =	simm.s32 $0x7100  }
0xe: {  	_ =	strace $0x80000047;
	[dreg:$0x4] =	wrdreg s2;
	s2 =	simm.s32 $0xA900  }
0xf: {  	s6 =	sadd.s32 s5, s6;
	s22 =	sshrl.u32 s7, $0x3;
	s7 =	smax.u32 s0, $0x1  }
0x10: {  	[dreg:$0x8] =	wrdreg s6;
	s23 =	sadd.s32 $0x1800, s6;
	s4 =	sadd.s32 s5, s22  }
0x11: {  	s5 =	sadd.s32 $0x40, s1;
	s6 =	sadd.s32 $0x80, s1;
	s22 =	simm.s32 $0x6100  }
0x12: {  	v2 =	vlaneseq.u32;
	[dreg:$0x5] =	wrdreg s23;
	s25 =	sadd.s32 $0x3000, s4;
	s26 =	sadd.s32 $0x4800, s4  }
0x13: {  	vm0 =	vmmov $0xffff;
	v1 =	vshrl.u32 v2, $0x3;
	s4 =	simm.s32 $0x1;
	s23 =	simm.s32 $0x6900;
	[dreg:$0x6] =	wrdreg s25  }
0x14: {  	v0 =	vand.u32 $0x7, v2;
	v2 =	vor.u32 $0x8, v2;
	v1 =	vmul.u32 $0x2, v1;
	[dreg:$0x7] =	wrdreg s26;
	s25 =	simm.s32 $0x7900;
	s26 =	simm.s32 $0x8100  }
.LBB2_1:
0x15: {  	s10 =	rddreg [dreg:$0x4]  }
0x16: {  	[tilespmem:s3], [sflag:$0x2] =	stream.linear.gather [hbm4b:s10+s3], $0x100, $0x38;
	[tilespmem:$0xC100] =	vst v63  }
0x17: {  	_ =	swait.ge [sflag:s8], $0x100  }
0x18: {  	[sflag:s8] =	ssyncset.done $0x0  }
0x19: {  	[sflag:s8] =	ssyncadd.s32 $0xFFFFFF00  }
0x1a: {  	v3 =	vld [tilespmem:$0x0];
	_ =	sdelay $0x4  }
0x1b: {  	v4 =	vshrl.u32 v3, $0x1  }
0x1c: {  	v4 =	vmul.u32 $0xC, v4  }
0x1d: {  	v3 =	vand.u32 $0x1, v3  }
0x1e: {  	v3 =	vor.u32 v3, v4  }
0x1f: {  	v4 =	vperm.xlane v3, v0;
	_ =	sdelay $0x1  }
0x20: {  	v4 =	vadd.s32 v1, v4;
	_ =	sdelay $0x3  }
0x21: {  	v3 =	vperm.xlane v3, v2  }
0x22: {  	[tilespmem:s9], [sflag:$0x1] =	stream.indirect_vreg.gather [hbm4b:s1+s3], $0x80, v4, vm0, $0xb8;
	[tilespmem:$0xC100] =	vst v63  }
0x23: {  	v3 =	vadd.s32 v1, v3  }
0x24: {  	[tilespmem:s11], [sflag:$0x1] =	stream.indirect_vreg.gather [hbm4b:s5+s3], $0x80, v4, vm0, $0xb8;
	[tilespmem:$0xC100] =	vst v63  }
0x25: {  	_ = 	snop  }
0x26: {  	[tilespmem:s12], [sflag:$0x1] =	stream.indirect_vreg.gather [hbm4b:s6+s3], $0x80, v4, vm0, $0xb8;
	[tilespmem:$0xC100] =	vst v63  }
0x27: {  	_ = 	snop  }
0x28: {  	[tilespmem:s13], [sflag:$0x1] =	stream.indirect_vreg.gather [hbm4b:s1+s3], $0x80, v3, vm0, $0xb8;
	[tilespmem:$0xC100] =	vst v63  }
0x29: {  	_ = 	snop  }
0x2a: {  	[tilespmem:s14], [sflag:$0x1] =	stream.indirect_vreg.gather [hbm4b:s5+s3], $0x80, v3, vm0, $0xb8;
	[tilespmem:$0xC100] =	vst v63  }
0x2b: {  	_ = 	snop  }
0x2c: {  	[tilespmem:s15], [sflag:$0x1] =	stream.indirect_vreg.gather [hbm4b:s6+s3], $0x80, v3, vm0, $0xb8;
	[tilespmem:$0xC100] =	vst v63  }
0x2d: {  	v3 =	vld [tilespmem:$0x10];
	_ =	sdelay $0x4  }
0x2e: {  	v49 =	vshrl.u32 v3, $0x1  }
0x2f: {  	v4 =	vmul.u32 $0xC, v49  }
0x30: {  	v3 =	vand.u32 $0x1, v3  }
0x31: {  	v3 =	vor.u32 v3, v4  }
0x32: {  	v4 =	vperm.xlane v3, v0;
	_ =	sdelay $0x1  }
0x33: {  	v4 =	vadd.s32 v1, v4;
	_ =	sdelay $0x3  }
0x34: {  	v3 =	vperm.xlane v3, v2  }
0x35: {  	[tilespmem:s16], [sflag:$0x1] =	stream.indirect_vreg.gather [hbm4b:s1+s3], $0x80, v4, vm0, $0xb8;
	[tilespmem:$0xC100] =	vst v63  }
0x36: {  	v3 =	vadd.s32 v1, v3  }
0x37: {  	[tilespmem:s17], [sflag:$0x1] =	stream.indirect_vreg.gather [hbm4b:s5+s3], $0x80, v4, vm0, $0xb8;
	[tilespmem:$0xC100] =	vst v63  }
0x38: {  	_ = 	snop  }
0x39: {  	[tilespmem:s18], [sflag:$0x1] =	stream.indirect_vreg.gather [hbm4b:s6+s3], $0x80, v4, vm0, $0xb8;
	[tilespmem:$0xC100] =	vst v63  }
0x3a: {  	_ = 	snop  }
0x3b: {  	[tilespmem:s19], [sflag:$0x1] =	stream.indirect_vreg.gather [hbm4b:s1+s3], $0x80, v3, vm0, $0xb8;
	[tilespmem:$0xC100] =	vst v63  }
0x3c: {  	_ = 	snop  }
0x3d: {  	[tilespmem:s20], [sflag:$0x1] =	stream.indirect_vreg.gather [hbm4b:s5+s3], $0x80, v3, vm0, $0xb8;
	[tilespmem:$0xC100] =	vst v63  }
0x3e: {  	_ = 	snop  }
0x3f: {  	[tilespmem:s21], [sflag:$0x1] =	stream.indirect_vreg.gather [hbm4b:s6+s3], $0x80, v3, vm0, $0xb8;
	[tilespmem:$0xC100] =	vst v63  }
0x40: {  	v3 =	vld [tilespmem:$0x20];
	_ =	sdelay $0x4  }
0x41: {  	v50 =	vshrl.u32 v3, $0x1  }
0x42: {  	v4 =	vmul.u32 $0xC, v50  }
0x43: {  	v3 =	vand.u32 $0x1, v3  }
0x44: {  	v3 =	vor.u32 v3, v4  }
0x45: {  	v4 =	vperm.xlane v3, v0;
	_ =	sdelay $0x1  }
0x46: {  	v4 =	vadd.s32 v1, v4;
	_ =	sdelay $0x3  }
0x47: {  	v3 =	vperm.xlane v3, v2  }
0x48: {  	[tilespmem:s22], [sflag:$0x1] =	stream.indirect_vreg.gather [hbm4b:s1+s3], $0x80, v4, vm0, $0xb8;
	[tilespmem:$0xC100] =	vst v63  }
0x49: {  	v3 =	vadd.s32 v1, v3  }
0x4a: {  	[tilespmem:s23], [sflag:$0x1] =	stream.indirect_vreg.gather [hbm4b:s5+s3], $0x80, v4, vm0, $0xb8;
	[tilespmem:$0xC100] =	vst v63  }
0x4b: {  	_ = 	snop  }
0x4c: {  	[tilespmem:s24], [sflag:$0x1] =	stream.indirect_vreg.gather [hbm4b:s6+s3], $0x80, v4, vm0, $0xb8;
	[tilespmem:$0xC100] =	vst v63  }
0x4d: {  	_ = 	snop  }
0x4e: {  	[tilespmem:s25], [sflag:$0x1] =	stream.indirect_vreg.gather [hbm4b:s1+s3], $0x80, v3, vm0, $0xb8;
	[tilespmem:$0xC100] =	vst v63  }
0x4f: {  	_ = 	snop  }
0x50: {  	[tilespmem:s26], [sflag:$0x1] =	stream.indirect_vreg.gather [hbm4b:s5+s3], $0x80, v3, vm0, $0xb8;
	[tilespmem:$0xC100] =	vst v63  }
0x51: {  	_ = 	snop  }
0x52: {  	[tilespmem:s28], [sflag:$0x1] =	stream.indirect_vreg.gather [hbm4b:s6+s3], $0x80, v3, vm0, $0xb8;
	[tilespmem:$0xC100] =	vst v63  }
0x53: {  	v3 =	vld [tilespmem:$0x30];
	_ =	sdelay $0x4  }
0x54: {  	v51 =	vshrl.u32 v3, $0x1  }
0x55: {  	v4 =	vmul.u32 $0xC, v51  }
0x56: {  	v3 =	vand.u32 $0x1, v3  }
0x57: {  	v3 =	vor.u32 v3, v4  }
0x58: {  	v4 =	vperm.xlane v3, v0;
	_ =	sdelay $0x1  }
0x59: {  	v4 =	vadd.s32 v1, v4;
	_ =	sdelay $0x3  }
0x5a: {  	v3 =	vperm.xlane v3, v2  }
0x5b: {  	[tilespmem:s29], [sflag:$0x1] =	stream.indirect_vreg.gather [hbm4b:s1+s3], $0x80, v4, vm0, $0xb8;
	[tilespmem:$0xC100] =	vst v63  }
0x5c: {  	v3 =	vadd.s32 v1, v3  }
0x5d: {  	[tilespmem:s30], [sflag:$0x1] =	stream.indirect_vreg.gather [hbm4b:s5+s3], $0x80, v4, vm0, $0xb8;
	[tilespmem:$0xC100] =	vst v63  }
0x5e: {  	_ = 	snop  }
0x5f: {  	[tilespmem:s31], [sflag:$0x1] =	stream.indirect_vreg.gather [hbm4b:s6+s3], $0x80, v4, vm0, $0xb8;
	[tilespmem:$0xC100] =	vst v63  }
0x60: {  	_ = 	snop  }
0x61: {  	[tilespmem:s2], [sflag:$0x1] =	stream.indirect_vreg.gather [hbm4b:s1+s3], $0x80, v3, vm0, $0xb8;
	[tilespmem:$0xC100] =	vst v63  }
0x62: {  	s0 =	simm.s32 $0xB100  }
0x63: {  	[tilespmem:s0], [sflag:$0x1] =	stream.indirect_vreg.gather [hbm4b:s5+s3], $0x80, v3, vm0, $0xb8;
	[tilespmem:$0xC100] =	vst v63  }
0x64: {  	s10 =	simm.s32 $0xB900  }
0x65: {  	[tilespmem:s10], [sflag:$0x1] =	stream.indirect_vreg.gather [hbm4b:s6+s3], $0x80, v3, vm0, $0xb8;
	[tilespmem:$0xC100] =	vst v63  }
0x66: {  	_ =	swait.ge [sflag:s4], $0xC000  }
0x67: {  	[sflag:s4] =	ssyncset.done $0x0  }
0x68: {  	s10 =	rddreg [dreg:$0x8];
	[sflag:s4] =	ssyncadd.s32 $0xFFFF4000  }
0x69: {  	[hbm4b:s10+s3] =	stream.linear.scatter [tilespmem:s9], [sflag:$0x2], $0xC000, $0x38;
	[tilespmem:$0xC100] =	vst v63  }
0x6a: {  	_ =	swait.ge [sflag:s8], $0xC000  }
0x6b: {  	[sflag:s8] =	ssyncset.done $0x0  }
0x6c: {  	[sflag:s8] =	ssyncadd.s32 $0xFFFF4000  }
0x6d: {  	v3 =	vld [tilespmem:$0x40];
	_ =	sdelay $0x4  }
0x6e: {  	v52 =	vshrl.u32 v3, $0x1  }
0x6f: {  	v4 =	vmul.u32 $0xC, v52  }
0x70: {  	v3 =	vand.u32 $0x1, v3  }
0x71: {  	v3 =	vor.u32 v3, v4  }
0x72: {  	v4 =	vperm.xlane v3, v0;
	_ =	sdelay $0x1  }
0x73: {  	v4 =	vadd.s32 v1, v4;
	_ =	sdelay $0x3  }
0x74: {  	v3 =	vperm.xlane v3, v2  }
0x75: {  	[tilespmem:s9], [sflag:$0x1] =	stream.indirect_vreg.gather [hbm4b:s1+s3], $0x80, v4, vm0, $0xb8;
	[tilespmem:$0xC100] =	vst v63  }
0x76: {  	v3 =	vadd.s32 v1, v3  }
0x77: {  	[tilespmem:s11], [sflag:$0x1] =	stream.indirect_vreg.gather [hbm4b:s5+s3], $0x80, v4, vm0, $0xb8;
	[tilespmem:$0xC100] =	vst v63  }
0x78: {  	_ = 	snop  }
0x79: {  	[tilespmem:s12], [sflag:$0x1] =	stream.indirect_vreg.gather [hbm4b:s6+s3], $0x80, v4, vm0, $0xb8;
	[tilespmem:$0xC100] =	vst v63  }
0x7a: {  	_ = 	snop  }
0x7b: {  	[tilespmem:s13], [sflag:$0x1] =	stream.indirect_vreg.gather [hbm4b:s1+s3], $0x80, v3, vm0, $0xb8;
	[tilespmem:$0xC100] =	vst v63  }
0x7c: {  	_ = 	snop  }
0x7d: {  	[tilespmem:s14], [sflag:$0x1] =	stream.indirect_vreg.gather [hbm4b:s5+s3], $0x80, v3, vm0, $0xb8;
	[tilespmem:$0xC100] =	vst v63  }
0x7e: {  	_ = 	snop  }
0x7f: {  	[tilespmem:s15], [sflag:$0x1] =	stream.indirect_vreg.gather [hbm4b:s6+s3], $0x80, v3, vm0, $0xb8;
	[tilespmem:$0xC100] =	vst v63  }
0x80: {  	v3 =	vld [tilespmem:$0x50];
	_ =	sdelay $0x4  }
0x81: {  	v53 =	vshrl.u32 v3, $0x1  }
0x82: {  	v4 =	vmul.u32 $0xC, v53  }
0x83: {  	v3 =	vand.u32 $0x1, v3  }
0x84: {  	v3 =	vor.u32 v3, v4  }
0x85: {  	v4 =	vperm.xlane v3, v0;
	_ =	sdelay $0x1  }
0x86: {  	v4 =	vadd.s32 v1, v4;
	_ =	sdelay $0x3  }
0x87: {  	v3 =	vperm.xlane v3, v2  }
0x88: {  	[tilespmem:s16], [sflag:$0x1] =	stream.indirect_vreg.gather [hbm4b:s1+s3], $0x80, v4, vm0, $0xb8;
	[tilespmem:$0xC100] =	vst v63  }
0x89: {  	v3 =	vadd.s32 v1, v3  }
0x8a: {  	[tilespmem:s17], [sflag:$0x1] =	stream.indirect_vreg.gather [hbm4b:s5+s3], $0x80, v4, vm0, $0xb8;
	[tilespmem:$0xC100] =	vst v63  }
0x8b: {  	_ = 	snop  }
0x8c: {  	[tilespmem:s18], [sflag:$0x1] =	stream.indirect_vreg.gather [hbm4b:s6+s3], $0x80, v4, vm0, $0xb8;
	[tilespmem:$0xC100] =	vst v63  }
0x8d: {  	_ = 	snop  }
0x8e: {  	[tilespmem:s19], [sflag:$0x1] =	stream.indirect_vreg.gather [hbm4b:s1+s3], $0x80, v3, vm0, $0xb8;
	[tilespmem:$0xC100] =	vst v63  }
0x8f: {  	_ = 	snop  }
0x90: {  	[tilespmem:s20], [sflag:$0x1] =	stream.indirect_vreg.gather [hbm4b:s5+s3], $0x80, v3, vm0, $0xb8;
	[tilespmem:$0xC100] =	vst v63  }
0x91: {  	_ = 	snop  }
0x92: {  	[tilespmem:s21], [sflag:$0x1] =	stream.indirect_vreg.gather [hbm4b:s6+s3], $0x80, v3, vm0, $0xb8;
	[tilespmem:$0xC100] =	vst v63  }
0x93: {  	v3 =	vld [tilespmem:$0x60];
	_ =	sdelay $0x4  }
0x94: {  	v54 =	vshrl.u32 v3, $0x1  }
0x95: {  	v4 =	vmul.u32 $0xC, v54  }
0x96: {  	v3 =	vand.u32 $0x1, v3  }
0x97: {  	v3 =	vor.u32 v3, v4  }
0x98: {  	v4 =	vperm.xlane v3, v0;
	_ =	sdelay $0x1  }
0x99: {  	v4 =	vadd.s32 v1, v4;
	_ =	sdelay $0x3  }
0x9a: {  	v3 =	vperm.xlane v3, v2  }
0x9b: {  	[tilespmem:s22], [sflag:$0x1] =	stream.indirect_vreg.gather [hbm4b:s1+s3], $0x80, v4, vm0, $0xb8;
	[tilespmem:$0xC100] =	vst v63  }
0x9c: {  	v3 =	vadd.s32 v1, v3  }
0x9d: {  	[tilespmem:s23], [sflag:$0x1] =	stream.indirect_vreg.gather [hbm4b:s5+s3], $0x80, v4, vm0, $0xb8;
	[tilespmem:$0xC100] =	vst v63  }
0x9e: {  	_ = 	snop  }
0x9f: {  	[tilespmem:s24], [sflag:$0x1] =	stream.indirect_vreg.gather [hbm4b:s6+s3], $0x80, v4, vm0, $0xb8;
	[tilespmem:$0xC100] =	vst v63  }
0xa0: {  	_ = 	snop  }
0xa1: {  	[tilespmem:s25], [sflag:$0x1] =	stream.indirect_vreg.gather [hbm4b:s1+s3], $0x80, v3, vm0, $0xb8;
	[tilespmem:$0xC100] =	vst v63  }
0xa2: {  	_ = 	snop  }
0xa3: {  	[tilespmem:s26], [sflag:$0x1] =	stream.indirect_vreg.gather [hbm4b:s5+s3], $0x80, v3, vm0, $0xb8;
	[tilespmem:$0xC100] =	vst v63  }
0xa4: {  	_ = 	snop  }
0xa5: {  	[tilespmem:s28], [sflag:$0x1] =	stream.indirect_vreg.gather [hbm4b:s6+s3], $0x80, v3, vm0, $0xb8;
	[tilespmem:$0xC100] =	vst v63  }
0xa6: {  	v3 =	vld [tilespmem:$0x70];
	_ =	sdelay $0x4  }
0xa7: {  	v55 =	vshrl.u32 v3, $0x1  }
0xa8: {  	v4 =	vmul.u32 $0xC, v55  }
0xa9: {  	v3 =	vand.u32 $0x1, v3  }
0xaa: {  	v3 =	vor.u32 v3, v4  }
0xab: {  	v4 =	vperm.xlane v3, v0;
	_ =	sdelay $0x1  }
0xac: {  	v4 =	vadd.s32 v1, v4;
	_ =	sdelay $0x3  }
0xad: {  	v3 =	vperm.xlane v3, v2  }
0xae: {  	[tilespmem:s29], [sflag:$0x1] =	stream.indirect_vreg.gather [hbm4b:s1+s3], $0x80, v4, vm0, $0xb8;
	[tilespmem:$0xC100] =	vst v63  }
0xaf: {  	v3 =	vadd.s32 v1, v3  }
0xb0: {  	[tilespmem:s30], [sflag:$0x1] =	stream.indirect_vreg.gather [hbm4b:s5+s3], $0x80, v4, vm0, $0xb8;
	[tilespmem:$0xC100] =	vst v63  }
0xb1: {  	_ = 	snop  }
0xb2: {  	[tilespmem:s31], [sflag:$0x1] =	stream.indirect_vreg.gather [hbm4b:s6+s3], $0x80, v4, vm0, $0xb8;
	[tilespmem:$0xC100] =	vst v63  }
0xb3: {  	_ = 	snop  }
0xb4: {  	[tilespmem:s2], [sflag:$0x1] =	stream.indirect_vreg.gather [hbm4b:s1+s3], $0x80, v3, vm0, $0xb8;
	[tilespmem:$0xC100] =	vst v63  }
0xb5: {  	_ = 	snop  }
0xb6: {  	[tilespmem:s0], [sflag:$0x1] =	stream.indirect_vreg.gather [hbm4b:s5+s3], $0x80, v3, vm0, $0xb8;
	[tilespmem:$0xC100] =	vst v63  }
0xb7: {  	s10 =	simm.s32 $0xB900  }
0xb8: {  	[tilespmem:s10], [sflag:$0x1] =	stream.indirect_vreg.gather [hbm4b:s6+s3], $0x80, v3, vm0, $0xb8;
	[tilespmem:$0xC100] =	vst v63  }
0xb9: {  	_ =	swait.ge [sflag:s4], $0xC000  }
0xba: {  	[sflag:s4] =	ssyncset.done $0x0  }
0xbb: {  	s10 =	rddreg [dreg:$0x5];
	[sflag:s4] =	ssyncadd.s32 $0xFFFF4000  }
0xbc: {  	[hbm4b:s10+s3] =	stream.linear.scatter [tilespmem:s9], [sflag:$0x2], $0xC000, $0x38;
	[tilespmem:$0xC100] =	vst v63  }
0xbd: {  	_ =	swait.ge [sflag:s8], $0xC000  }
0xbe: {  	[sflag:s8] =	ssyncset.done $0x0  }
0xbf: {  	[sflag:s8] =	ssyncadd.s32 $0xFFFF4000  }
0xc0: {  	v3 =	vld [tilespmem:$0x80];
	_ =	sdelay $0x4  }
0xc1: {  	v56 =	vshrl.u32 v3, $0x1  }
0xc2: {  	v4 =	vmul.u32 $0xC, v56  }
0xc3: {  	v3 =	vand.u32 $0x1, v3  }
0xc4: {  	v3 =	vor.u32 v3, v4  }
0xc5: {  	v4 =	vperm.xlane v3, v0;
	_ =	sdelay $0x1  }
0xc6: {  	v4 =	vadd.s32 v1, v4;
	_ =	sdelay $0x3  }
0xc7: {  	v3 =	vperm.xlane v3, v2  }
0xc8: {  	[tilespmem:s9], [sflag:$0x1] =	stream.indirect_vreg.gather [hbm4b:s1+s3], $0x80, v4, vm0, $0xb8;
	[tilespmem:$0xC100] =	vst v63  }
0xc9: {  	v3 =	vadd.s32 v1, v3  }
0xca: {  	[tilespmem:s11], [sflag:$0x1] =	stream.indirect_vreg.gather [hbm4b:s5+s3], $0x80, v4, vm0, $0xb8;
	[tilespmem:$0xC100] =	vst v63  }
0xcb: {  	_ = 	snop  }
0xcc: {  	[tilespmem:s12], [sflag:$0x1] =	stream.indirect_vreg.gather [hbm4b:s6+s3], $0x80, v4, vm0, $0xb8;
	[tilespmem:$0xC100] =	vst v63  }
0xcd: {  	_ = 	snop  }
0xce: {  	[tilespmem:s13], [sflag:$0x1] =	stream.indirect_vreg.gather [hbm4b:s1+s3], $0x80, v3, vm0, $0xb8;
	[tilespmem:$0xC100] =	vst v63  }
0xcf: {  	_ = 	snop  }
0xd0: {  	[tilespmem:s14], [sflag:$0x1] =	stream.indirect_vreg.gather [hbm4b:s5+s3], $0x80, v3, vm0, $0xb8;
	[tilespmem:$0xC100] =	vst v63  }
0xd1: {  	_ = 	snop  }
0xd2: {  	[tilespmem:s15], [sflag:$0x1] =	stream.indirect_vreg.gather [hbm4b:s6+s3], $0x80, v3, vm0, $0xb8;
	[tilespmem:$0xC100] =	vst v63  }
0xd3: {  	v3 =	vld [tilespmem:$0x90];
	_ =	sdelay $0x4  }
0xd4: {  	v57 =	vshrl.u32 v3, $0x1  }
0xd5: {  	v4 =	vmul.u32 $0xC, v57  }
0xd6: {  	v3 =	vand.u32 $0x1, v3  }
0xd7: {  	v3 =	vor.u32 v3, v4  }
0xd8: {  	v4 =	vperm.xlane v3, v0;
	_ =	sdelay $0x1  }
0xd9: {  	v4 =	vadd.s32 v1, v4;
	_ =	sdelay $0x3  }
0xda: {  	v3 =	vperm.xlane v3, v2  }
0xdb: {  	[tilespmem:s16], [sflag:$0x1] =	stream.indirect_vreg.gather [hbm4b:s1+s3], $0x80, v4, vm0, $0xb8;
	[tilespmem:$0xC100] =	vst v63  }
0xdc: {  	v3 =	vadd.s32 v1, v3  }
0xdd: {  	[tilespmem:s17], [sflag:$0x1] =	stream.indirect_vreg.gather [hbm4b:s5+s3], $0x80, v4, vm0, $0xb8;
	[tilespmem:$0xC100] =	vst v63  }
0xde: {  	_ = 	snop  }
0xdf: {  	[tilespmem:s18], [sflag:$0x1] =	stream.indirect_vreg.gather [hbm4b:s6+s3], $0x80, v4, vm0, $0xb8;
	[tilespmem:$0xC100] =	vst v63  }
0xe0: {  	_ = 	snop  }
0xe1: {  	[tilespmem:s19], [sflag:$0x1] =	stream.indirect_vreg.gather [hbm4b:s1+s3], $0x80, v3, vm0, $0xb8;
	[tilespmem:$0xC100] =	vst v63  }
0xe2: {  	_ = 	snop  }
0xe3: {  	[tilespmem:s20], [sflag:$0x1] =	stream.indirect_vreg.gather [hbm4b:s5+s3], $0x80, v3, vm0, $0xb8;
	[tilespmem:$0xC100] =	vst v63  }
0xe4: {  	_ = 	snop  }
0xe5: {  	[tilespmem:s21], [sflag:$0x1] =	stream.indirect_vreg.gather [hbm4b:s6+s3], $0x80, v3, vm0, $0xb8;
	[tilespmem:$0xC100] =	vst v63  }
0xe6: {  	v3 =	vld [tilespmem:$0xA0];
	_ =	sdelay $0x4  }
0xe7: {  	v58 =	vshrl.u32 v3, $0x1  }
0xe8: {  	v4 =	vmul.u32 $0xC, v58  }
0xe9: {  	v3 =	vand.u32 $0x1, v3  }
0xea: {  	v3 =	vor.u32 v3, v4  }
0xeb: {  	v4 =	vperm.xlane v3, v0;
	_ =	sdelay $0x1  }
0xec: {  	v4 =	vadd.s32 v1, v4;
	_ =	sdelay $0x3  }
0xed: {  	v3 =	vperm.xlane v3, v2  }
0xee: {  	[tilespmem:s22], [sflag:$0x1] =	stream.indirect_vreg.gather [hbm4b:s1+s3], $0x80, v4, vm0, $0xb8;
	[tilespmem:$0xC100] =	vst v63  }
0xef: {  	v3 =	vadd.s32 v1, v3  }
0xf0: {  	[tilespmem:s23], [sflag:$0x1] =	stream.indirect_vreg.gather [hbm4b:s5+s3], $0x80, v4, vm0, $0xb8;
	[tilespmem:$0xC100] =	vst v63  }
0xf1: {  	_ = 	snop  }
0xf2: {  	[tilespmem:s24], [sflag:$0x1] =	stream.indirect_vreg.gather [hbm4b:s6+s3], $0x80, v4, vm0, $0xb8;
	[tilespmem:$0xC100] =	vst v63  }
0xf3: {  	_ = 	snop  }
0xf4: {  	[tilespmem:s25], [sflag:$0x1] =	stream.indirect_vreg.gather [hbm4b:s1+s3], $0x80, v3, vm0, $0xb8;
	[tilespmem:$0xC100] =	vst v63  }
0xf5: {  	_ = 	snop  }
0xf6: {  	[tilespmem:s26], [sflag:$0x1] =	stream.indirect_vreg.gather [hbm4b:s5+s3], $0x80, v3, vm0, $0xb8;
	[tilespmem:$0xC100] =	vst v63  }
0xf7: {  	_ = 	snop  }
0xf8: {  	[tilespmem:s28], [sflag:$0x1] =	stream.indirect_vreg.gather [hbm4b:s6+s3], $0x80, v3, vm0, $0xb8;
	[tilespmem:$0xC100] =	vst v63  }
0xf9: {  	v3 =	vld [tilespmem:$0xB0];
	_ =	sdelay $0x4  }
0xfa: {  	v59 =	vshrl.u32 v3, $0x1  }
0xfb: {  	v4 =	vmul.u32 $0xC, v59  }
0xfc: {  	v3 =	vand.u32 $0x1, v3  }
0xfd: {  	v3 =	vor.u32 v3, v4  }
0xfe: {  	v4 =	vperm.xlane v3, v0;
	_ =	sdelay $0x1  }
0xff: {  	v4 =	vadd.s32 v1, v4;
	_ =	sdelay $0x3  }
0x100: {  	v3 =	vperm.xlane v3, v2  }
0x101: {  	[tilespmem:s29], [sflag:$0x1] =	stream.indirect_vreg.gather [hbm4b:s1+s3], $0x80, v4, vm0, $0xb8;
	[tilespmem:$0xC100] =	vst v63  }
0x102: {  	v3 =	vadd.s32 v1, v3  }
0x103: {  	[tilespmem:s30], [sflag:$0x1] =	stream.indirect_vreg.gather [hbm4b:s5+s3], $0x80, v4, vm0, $0xb8;
	[tilespmem:$0xC100] =	vst v63  }
0x104: {  	_ = 	snop  }
0x105: {  	[tilespmem:s31], [sflag:$0x1] =	stream.indirect_vreg.gather [hbm4b:s6+s3], $0x80, v4, vm0, $0xb8;
	[tilespmem:$0xC100] =	vst v63  }
0x106: {  	_ = 	snop  }
0x107: {  	[tilespmem:s2], [sflag:$0x1] =	stream.indirect_vreg.gather [hbm4b:s1+s3], $0x80, v3, vm0, $0xb8;
	[tilespmem:$0xC100] =	vst v63  }
0x108: {  	_ = 	snop  }
0x109: {  	[tilespmem:s0], [sflag:$0x1] =	stream.indirect_vreg.gather [hbm4b:s5+s3], $0x80, v3, vm0, $0xb8;
	[tilespmem:$0xC100] =	vst v63  }
0x10a: {  	s10 =	simm.s32 $0xB900  }
0x10b: {  	[tilespmem:s10], [sflag:$0x1] =	stream.indirect_vreg.gather [hbm4b:s6+s3], $0x80, v3, vm0, $0xb8;
	[tilespmem:$0xC100] =	vst v63  }
0x10c: {  	_ =	swait.ge [sflag:s4], $0xC000  }
0x10d: {  	[sflag:s4] =	ssyncset.done $0x0  }
0x10e: {  	s10 =	rddreg [dreg:$0x6];
	[sflag:s4] =	ssyncadd.s32 $0xFFFF4000  }
0x10f: {  	[hbm4b:s10+s3] =	stream.linear.scatter [tilespmem:s9], [sflag:$0x2], $0xC000, $0x38;
	[tilespmem:$0xC100] =	vst v63  }
0x110: {  	_ =	swait.ge [sflag:s8], $0xC000  }
0x111: {  	[sflag:s8] =	ssyncset.done $0x0  }
0x112: {  	[sflag:s8] =	ssyncadd.s32 $0xFFFF4000  }
0x113: {  	v3 =	vld [tilespmem:$0xC0];
	_ =	sdelay $0x4  }
0x114: {  	v60 =	vshrl.u32 v3, $0x1  }
0x115: {  	v4 =	vmul.u32 $0xC, v60  }
0x116: {  	v3 =	vand.u32 $0x1, v3  }
0x117: {  	v3 =	vor.u32 v3, v4  }
0x118: {  	v4 =	vperm.xlane v3, v0;
	_ =	sdelay $0x1  }
0x119: {  	v4 =	vadd.s32 v1, v4;
	_ =	sdelay $0x3  }
0x11a: {  	v3 =	vperm.xlane v3, v2  }
0x11b: {  	[tilespmem:s9], [sflag:$0x1] =	stream.indirect_vreg.gather [hbm4b:s1+s3], $0x80, v4, vm0, $0xb8;
	[tilespmem:$0xC100] =	vst v63  }
0x11c: {  	v3 =	vadd.s32 v1, v3  }
0x11d: {  	[tilespmem:s11], [sflag:$0x1] =	stream.indirect_vreg.gather [hbm4b:s5+s3], $0x80, v4, vm0, $0xb8;
	[tilespmem:$0xC100] =	vst v63  }
0x11e: {  	_ = 	snop  }
0x11f: {  	[tilespmem:s12], [sflag:$0x1] =	stream.indirect_vreg.gather [hbm4b:s6+s3], $0x80, v4, vm0, $0xb8;
	[tilespmem:$0xC100] =	vst v63  }
0x120: {  	_ = 	snop  }
0x121: {  	[tilespmem:s13], [sflag:$0x1] =	stream.indirect_vreg.gather [hbm4b:s1+s3], $0x80, v3, vm0, $0xb8;
	[tilespmem:$0xC100] =	vst v63  }
0x122: {  	_ = 	snop  }
0x123: {  	[tilespmem:s14], [sflag:$0x1] =	stream.indirect_vreg.gather [hbm4b:s5+s3], $0x80, v3, vm0, $0xb8;
	[tilespmem:$0xC100] =	vst v63  }
0x124: {  	_ = 	snop  }
0x125: {  	[tilespmem:s15], [sflag:$0x1] =	stream.indirect_vreg.gather [hbm4b:s6+s3], $0x80, v3, vm0, $0xb8;
	[tilespmem:$0xC100] =	vst v63  }
0x126: {  	v3 =	vld [tilespmem:$0xD0];
	_ =	sdelay $0x4  }
0x127: {  	v61 =	vshrl.u32 v3, $0x1  }
0x128: {  	v4 =	vmul.u32 $0xC, v61  }
0x129: {  	v3 =	vand.u32 $0x1, v3  }
0x12a: {  	v3 =	vor.u32 v3, v4  }
0x12b: {  	v4 =	vperm.xlane v3, v0;
	_ =	sdelay $0x1  }
0x12c: {  	v4 =	vadd.s32 v1, v4;
	_ =	sdelay $0x3  }
0x12d: {  	v3 =	vperm.xlane v3, v2  }
0x12e: {  	[tilespmem:s16], [sflag:$0x1] =	stream.indirect_vreg.gather [hbm4b:s1+s3], $0x80, v4, vm0, $0xb8;
	[tilespmem:$0xC100] =	vst v63  }
0x12f: {  	v3 =	vadd.s32 v1, v3  }
0x130: {  	[tilespmem:s17], [sflag:$0x1] =	stream.indirect_vreg.gather [hbm4b:s5+s3], $0x80, v4, vm0, $0xb8;
	[tilespmem:$0xC100] =	vst v63  }
0x131: {  	_ = 	snop  }
0x132: {  	[tilespmem:s18], [sflag:$0x1] =	stream.indirect_vreg.gather [hbm4b:s6+s3], $0x80, v4, vm0, $0xb8;
	[tilespmem:$0xC100] =	vst v63  }
0x133: {  	_ = 	snop  }
0x134: {  	[tilespmem:s19], [sflag:$0x1] =	stream.indirect_vreg.gather [hbm4b:s1+s3], $0x80, v3, vm0, $0xb8;
	[tilespmem:$0xC100] =	vst v63  }
0x135: {  	_ = 	snop  }
0x136: {  	[tilespmem:s20], [sflag:$0x1] =	stream.indirect_vreg.gather [hbm4b:s5+s3], $0x80, v3, vm0, $0xb8;
	[tilespmem:$0xC100] =	vst v63  }
0x137: {  	_ = 	snop  }
0x138: {  	[tilespmem:s21], [sflag:$0x1] =	stream.indirect_vreg.gather [hbm4b:s6+s3], $0x80, v3, vm0, $0xb8;
	[tilespmem:$0xC100] =	vst v63  }
0x139: {  	v3 =	vld [tilespmem:$0xE0];
	_ =	sdelay $0x4  }
0x13a: {  	v62 =	vshrl.u32 v3, $0x1  }
0x13b: {  	v4 =	vmul.u32 $0xC, v62  }
0x13c: {  	v3 =	vand.u32 $0x1, v3  }
0x13d: {  	v3 =	vor.u32 v3, v4  }
0x13e: {  	v4 =	vperm.xlane v3, v0;
	_ =	sdelay $0x1  }
0x13f: {  	v4 =	vadd.s32 v1, v4;
	_ =	sdelay $0x3  }
0x140: {  	v3 =	vperm.xlane v3, v2  }
0x141: {  	[tilespmem:s22], [sflag:$0x1] =	stream.indirect_vreg.gather [hbm4b:s1+s3], $0x80, v4, vm0, $0xb8;
	[tilespmem:$0xC100] =	vst v63  }
0x142: {  	v3 =	vadd.s32 v1, v3  }
0x143: {  	[tilespmem:s23], [sflag:$0x1] =	stream.indirect_vreg.gather [hbm4b:s5+s3], $0x80, v4, vm0, $0xb8;
	[tilespmem:$0xC100] =	vst v63  }
0x144: {  	_ = 	snop  }
0x145: {  	[tilespmem:s24], [sflag:$0x1] =	stream.indirect_vreg.gather [hbm4b:s6+s3], $0x80, v4, vm0, $0xb8;
	[tilespmem:$0xC100] =	vst v63  }
0x146: {  	_ = 	snop  }
0x147: {  	[tilespmem:s25], [sflag:$0x1] =	stream.indirect_vreg.gather [hbm4b:s1+s3], $0x80, v3, vm0, $0xb8;
	[tilespmem:$0xC100] =	vst v63  }
0x148: {  	_ = 	snop  }
0x149: {  	[tilespmem:s26], [sflag:$0x1] =	stream.indirect_vreg.gather [hbm4b:s5+s3], $0x80, v3, vm0, $0xb8;
	[tilespmem:$0xC100] =	vst v63  }
0x14a: {  	_ = 	snop  }
0x14b: {  	[tilespmem:s28], [sflag:$0x1] =	stream.indirect_vreg.gather [hbm4b:s6+s3], $0x80, v3, vm0, $0xb8;
	[tilespmem:$0xC100] =	vst v63  }
0x14c: {  	v3 =	vld [tilespmem:$0xF0];
	_ =	sdelay $0x4  }
0x14d: {  	v63 =	vshrl.u32 v3, $0x1  }
0x14e: {  	v4 =	vmul.u32 $0xC, v63  }
0x14f: {  	v3 =	vand.u32 $0x1, v3  }
0x150: {  	v3 =	vor.u32 v3, v4  }
0x151: {  	v4 =	vperm.xlane v3, v0;
	_ =	sdelay $0x1  }
0x152: {  	v4 =	vadd.s32 v1, v4;
	_ =	sdelay $0x3  }
0x153: {  	v3 =	vperm.xlane v3, v2  }
0x154: {  	[tilespmem:s29], [sflag:$0x1] =	stream.indirect_vreg.gather [hbm4b:s1+s3], $0x80, v4, vm0, $0xb8;
	[tilespmem:$0xC100] =	vst v63  }
0x155: {  	v3 =	vadd.s32 v1, v3  }
0x156: {  	[tilespmem:s30], [sflag:$0x1] =	stream.indirect_vreg.gather [hbm4b:s5+s3], $0x80, v4, vm0, $0xb8;
	[tilespmem:$0xC100] =	vst v63  }
0x157: {  	_ = 	snop  }
0x158: {  	[tilespmem:s31], [sflag:$0x1] =	stream.indirect_vreg.gather [hbm4b:s6+s3], $0x80, v4, vm0, $0xb8;
	[tilespmem:$0xC100] =	vst v63  }
0x159: {  	_ = 	snop  }
0x15a: {  	[tilespmem:s2], [sflag:$0x1] =	stream.indirect_vreg.gather [hbm4b:s1+s3], $0x80, v3, vm0, $0xb8;
	[tilespmem:$0xC100] =	vst v63  }
0x15b: {  	_ = 	snop  }
0x15c: {  	[tilespmem:s0], [sflag:$0x1] =	stream.indirect_vreg.gather [hbm4b:s5+s3], $0x80, v3, vm0, $0xb8;
	[tilespmem:$0xC100] =	vst v63  }
0x15d: {  	s10 =	simm.s32 $0xB900  }
0x15e: {  	[tilespmem:s10], [sflag:$0x1] =	stream.indirect_vreg.gather [hbm4b:s6+s3], $0x80, v3, vm0, $0xb8;
	[tilespmem:$0xC100] =	vst v63  }
0x15f: {  	_ =	swait.ge [sflag:s4], $0xC000  }
0x160: {  	p0 =	sne.s32 s7, $0x1;
	[sflag:s4] =	ssyncset.done $0x0  }
.Ltmp0:
0x161: {  	s0 =	rddreg [dreg:$0x7];
	[sflag:s4] =	ssyncadd.s32 $0xFFFF4000;
	(pc) =	sbr.rel @p0 .LBB2_1-.Ltmp0, $4  }
0x162: {  	[hbm4b:s0+s3] =	stream.linear.scatter [tilespmem:s9], [sflag:$0x2], $0xC000, $0x38;
	[tilespmem:$0xC100] =	vst v63  }
0x163: {  	_ =	swait.ge [sflag:s8], $0xC000  }
0x164: {  	[sflag:s8] =	ssyncset.done $0x0  }
0x165: {  	s7 =	sadd.s32 $0xFFFFFFFF, s7;
	[sflag:s8] =	ssyncadd.s32 $0xFFFF4000  }
0x166: {  	_ =	sfence.sel $0x180000  }
0x167: {  	[bflag:$0x0] =	sbarrier.arrive $0xFFFF  }
0x168: {  	_ =	strace $0x90000047  }
0x169: {  	s0 =	stileid.u32;
	[bflag:$0x2] =	sbarrier.arrive $0xFFFF  }
0x16a: {  	p0 =	sne.s32 s0, $0x0;
	s0 =	rddreg [dreg:$0x3]  }
0x16b: {  	s0 =	sadd.s32 @!p0 $0x100000, s0  }
0x16c: {  	[sflag:s0] =	ssyncadd.tile.s32 @!p0 $0x1;
	_ =	shalt  }
.Lfunc_end2:
_tile_overlayer_lowered:
.L_overlay_start_2:
0x16d: {  	(tag) =	ssettag $0x2  }
0x16e: {  	s0 =	rddreg [dreg:$0x0];
	s2 =	stileid.u32  }
0x16f: {  	s1 =	rddreg [dreg:$0x1];
	p0 =	sne.s32 s2, $0x0  }
0x170: {  	s3 =	rddreg [dreg:$0x2];
	[bflag:$0x3] =	sbarrier.arrive $0xFFFF;
	s2 =	simm.s32 @!p0 $0x1C02  }
0x171: {  	[timem:s3], [sflag:s2] =	dma.local @!p0 [hbm:s0], s1  }
0x172: {  	s0 =	simm.s32 @!p0 $0x2  }
0x173: {  	_ =	swait.ge @!p0 [sflag:s0], s1  }
0x174: {  	s1 =	ssub.s32 @!p0 $0x0, s1;
	[sflag:s0] =	ssyncset.done @!p0 $0x0  }
0x175: {  	[sflag:s0] =	ssyncadd.s32 @!p0 s1  }
0x176: {  	[bflag:$0x3] =	sbarrier.arrive $0xFFFF  }
0x177: {  	_ =	shalt  }

</sc_bundles>
